<compile_context>
chip_gen: v7x
topology: tpu7x:2x2x1
jax: 0.10.2.dev20260603
libtpu: 0.0.44.dev20260713+nightly
codegen_flags: <defaults>
</compile_context>

<pallas_src>
import jax
import jax.numpy as jnp
from jax import lax
from jax.experimental import pallas as pl
from jax.experimental.pallas import tpu as pltpu
from jax.experimental.pallas import tpu_sc as plsc

N_EDGES_ = 320000
D_ = 128
L_ = 16
NW_ = 32
E_PER_W = N_EDGES_ // NW_
CHUNK = 80
N_CHUNKS = E_PER_W // CHUNK


def _body(z_src, z_dst, src_idx, dst_idx, out,
          sidx_v, didx_v, out_v, sbuf0, dbuf0, sbuf1, dbuf1,
          sem_s0, sem_d0, sem_s1, sem_d1):
  wid = lax.axis_index("s") * 2 + lax.axis_index("c")
  base_w = wid * E_PER_W

  pltpu.sync_copy(src_idx.at[pl.ds(base_w, E_PER_W)], sidx_v)
  pltpu.sync_copy(dst_idx.at[pl.ds(base_w, E_PER_W)], didx_v)

  bufs = ((sbuf0, dbuf0, sem_s0, sem_d0), (sbuf1, dbuf1, sem_s1, sem_d1))
  lanes = lax.iota(jnp.int32, L_)

  def fire(c, p):
    sb, db, ss, sd = bufs[p]
    pltpu.async_copy(z_src.at[sidx_v.at[pl.ds(c * CHUNK, CHUNK)]], sb, ss)
    pltpu.async_copy(z_dst.at[didx_v.at[pl.ds(c * CHUNK, CHUNK)]], db, sd)

  def wait(p):
    sb, db, ss, sd = bufs[p]
    pltpu.make_async_copy(z_src.at[pl.ds(0, CHUNK)], sb, ss).wait()
    pltpu.make_async_copy(z_dst.at[pl.ds(0, CHUNK)], db, sd).wait()

  def compute(c, p):
    sb, db, _, _ = bufs[p]

    @plsc.parallel_loop(0, CHUNK // L_)
    def g_body(g):
      rows = g * L_ + lanes
      zero = jnp.zeros((L_,), jnp.float32)

      @plsc.parallel_loop(0, D_, 2, unroll=16, carry=(zero, zero))
      def d_loop(d, accs):
        a0, a1 = accs
        c0 = (lanes + d) & (D_ - 1)
        c1 = (c0 + 1) & (D_ - 1)
        a0 = a0 + plsc.load_gather(sb, [rows, c0]) * plsc.load_gather(db, [rows, c0])
        a1 = a1 + plsc.load_gather(sb, [rows, c1]) * plsc.load_gather(db, [rows, c1])
        return (a0, a1)

      out_v[pl.ds(c * CHUNK + g * L_, L_)] = d_loop[0] + d_loop[1]

  fire(0, 0)

  def pair_body(k, _):
    c = 2 * k + 1
    fire(c, 1)
    wait(0)
    compute(c - 1, 0)
    fire(c + 1, 0)
    wait(1)
    compute(c, 1)
    return 0

  lax.fori_loop(0, (N_CHUNKS - 1) // 2, pair_body, 0)
  wait(0)
  compute(N_CHUNKS - 1, 0)

  pltpu.sync_copy(out_v, out.at[pl.ds(base_w, E_PER_W)])


@jax.jit
def _decoder(z_src, z_dst, src_idx, dst_idx):
  mesh = plsc.VectorSubcoreMesh(core_axis_name="c", subcore_axis_name="s")
  return pl.kernel(
      _body,
      out_type=jax.ShapeDtypeStruct((N_EDGES_,), jnp.float32),
      mesh=mesh,
      compiler_params=pltpu.CompilerParams(needs_layout_passes=False),
      scratch_types=[
          pltpu.VMEM((E_PER_W,), jnp.int32),
          pltpu.VMEM((E_PER_W,), jnp.int32),
          pltpu.VMEM((E_PER_W,), jnp.float32),
          pltpu.VMEM((CHUNK, D_), jnp.float32),
          pltpu.VMEM((CHUNK, D_), jnp.float32),
          pltpu.VMEM((CHUNK, D_), jnp.float32),
          pltpu.VMEM((CHUNK, D_), jnp.float32),
          pltpu.SemaphoreType.DMA,
          pltpu.SemaphoreType.DMA,
          pltpu.SemaphoreType.DMA,
          pltpu.SemaphoreType.DMA,
      ],
  )(z_src, z_dst, src_idx, dst_idx)


def kernel(z_src, z_dst, edge_index):
  src_idx = edge_index[0].astype(jnp.int32)
  dst_idx = edge_index[1].astype(jnp.int32)
  return _decoder(z_src, z_dst, src_idx, dst_idx)

# --- scband reference (transcript-rebuilt; emitter-appended) ---
"""Pipeline reference for scband-dot-product-decoder-84911503442608 (READ-ONLY COPY).

The authoritative reference and input builder live on the scoring server;
editing this copy changes nothing except your own understanding.
"""

import jax, jax.numpy as jnp
import numpy as np

N_NODES = 10000
N_EDGES = 320000
D_FEAT = 128

def setup_inputs(seed: int = 0) -> dict:
    key = jax.random.key(seed)
    k1, k2, k3 = jax.random.split(key, 3)
    z_src = jax.random.normal(k1, (N_NODES, D_FEAT), dtype=jnp.float32)
    z_dst = jax.random.normal(k2, (N_NODES, D_FEAT), dtype=jnp.float32)
    edge_index = jax.random.randint(k3, (2, N_EDGES), 0, N_NODES, dtype=jnp.int64)
    return {"z_src": z_src, "z_dst": z_dst, "edge_index": edge_index}

def reference(z_src, z_dst, edge_index):
    src_emb = jnp.take(z_src, edge_index[0], axis=0)
    dst_emb = jnp.take(z_dst, edge_index[1], axis=0)
    return (src_emb * dst_emb).sum(axis=-1)

if __name__ == "__main__":
    import jax
    _d = setup_inputs()
    print(jax.jit(kernel)(*tuple(_d.values())))

</pallas_src>

<mosaic_0001>
#map = affine_map<(d0, d1) -> (0, 0)>
#map1 = affine_map<(d0, d1) -> (0)>
module attributes {stable_mosaic.version = 14 : i64} {
  func.func @_body(%arg0: i32, %arg1: i32, %arg2: memref<10000x128xf32, #tpu.memory_space<hbm>>, %arg3: memref<10000x128xf32, #tpu.memory_space<hbm>>, %arg4: memref<320000xi32, #tpu.memory_space<hbm>>, %arg5: memref<320000xi32, #tpu.memory_space<hbm>>, %arg6: memref<320000xf32, #tpu.memory_space<hbm>>, %arg7: memref<10000xi32, #tpu.memory_space<vmem>>, %arg8: memref<10000xi32, #tpu.memory_space<vmem>>, %arg9: memref<10000xf32, #tpu.memory_space<vmem>>, %arg10: memref<80x128xf32, #tpu.memory_space<vmem>>, %arg11: memref<80x128xf32, #tpu.memory_space<vmem>>, %arg12: memref<80x128xf32, #tpu.memory_space<vmem>>, %arg13: memref<80x128xf32, #tpu.memory_space<vmem>>, %arg14: memref<!tpu.dma_semaphore, #tpu.memory_space<semaphore_mem>>, %arg15: memref<!tpu.dma_semaphore, #tpu.memory_space<semaphore_mem>>, %arg16: memref<!tpu.dma_semaphore, #tpu.memory_space<semaphore_mem>>, %arg17: memref<!tpu.dma_semaphore, #tpu.memory_space<semaphore_mem>>) attributes {dimension_semantics = [#tpu.dimension_semantics<core_parallel>, #tpu.dimension_semantics<subcore_parallel>], iteration_bounds = array<i64: 2, 16>, scalar_prefetch = 0 : i64, scratch_operands = 11 : i64, tpu.core_type = #tpu.core_type<sc_vector_subcore>, window_params = [{transform_indices = #map}, {transform_indices = #map}, {transform_indices = #map1}, {transform_indices = #map1}, {transform_indices = #map1}]} {
    %mul3A = arith.constant 2 : i32
    %mul3A_0 = arith.muli %arg1, %mul3A : i32
    %add3A = arith.addi %mul3A_0, %arg0 : i32
    %mul3A_1 = arith.constant 10000 : i32
    %mul3A_2 = arith.muli %add3A, %mul3A_1 : i32
    "tpu.region"() ({
      %run_scoped3A = tpu.sem_alloc : memref<!tpu.dma_semaphore, #tpu.memory_space<semaphore_mem>>
      %dma_start3A_31 = tpu.memref_slice %arg4[%mul3A_2] : memref<320000xi32, #tpu.memory_space<hbm>> -> memref<10000xi32, #tpu.memory_space<hbm>>
      %dma_start3A_32 = tpu.memref_slice %arg4[%mul3A_2] : memref<320000xi32, #tpu.memory_space<hbm>> -> memref<10000xi32, #tpu.memory_space<hbm>>
      tpu.enqueue_dma source(%dma_start3A_32 : memref<10000xi32, #tpu.memory_space<hbm>>) target(%arg7 : memref<10000xi32, #tpu.memory_space<vmem>>) target_semaphore(%run_scoped3A : memref<!tpu.dma_semaphore, #tpu.memory_space<semaphore_mem>>)
      %dma_wait3A_33 = tpu.memref_slice %arg4[%mul3A_2] : memref<320000xi32, #tpu.memory_space<hbm>> -> memref<10000xi32, #tpu.memory_space<hbm>>
      %dma_wait3A_34 = tpu.memref_slice %arg4[%mul3A_2] : memref<320000xi32, #tpu.memory_space<hbm>> -> memref<10000xi32, #tpu.memory_space<hbm>>
      tpu.wait_dma2 semaphore(%run_scoped3A : memref<!tpu.dma_semaphore, #tpu.memory_space<semaphore_mem>>) src(%dma_wait3A_34 : memref<10000xi32, #tpu.memory_space<hbm>>) dst(%arg7 : memref<10000xi32, #tpu.memory_space<vmem>>)
      tpu.yield
    }) : () -> ()
    "tpu.region"() ({
      %run_scoped3A = tpu.sem_alloc : memref<!tpu.dma_semaphore, #tpu.memory_space<semaphore_mem>>
      %dma_start3A_31 = tpu.memref_slice %arg5[%mul3A_2] : memref<320000xi32, #tpu.memory_space<hbm>> -> memref<10000xi32, #tpu.memory_space<hbm>>
      %dma_start3A_32 = tpu.memref_slice %arg5[%mul3A_2] : memref<320000xi32, #tpu.memory_space<hbm>> -> memref<10000xi32, #tpu.memory_space<hbm>>
      tpu.enqueue_dma source(%dma_start3A_32 : memref<10000xi32, #tpu.memory_space<hbm>>) target(%arg8 : memref<10000xi32, #tpu.memory_space<vmem>>) target_semaphore(%run_scoped3A : memref<!tpu.dma_semaphore, #tpu.memory_space<semaphore_mem>>)
      %dma_wait3A_33 = tpu.memref_slice %arg5[%mul3A_2] : memref<320000xi32, #tpu.memory_space<hbm>> -> memref<10000xi32, #tpu.memory_space<hbm>>
      %dma_wait3A_34 = tpu.memref_slice %arg5[%mul3A_2] : memref<320000xi32, #tpu.memory_space<hbm>> -> memref<10000xi32, #tpu.memory_space<hbm>>
      tpu.wait_dma2 semaphore(%run_scoped3A : memref<!tpu.dma_semaphore, #tpu.memory_space<semaphore_mem>>) src(%dma_wait3A_34 : memref<10000xi32, #tpu.memory_space<hbm>>) dst(%arg8 : memref<10000xi32, #tpu.memory_space<vmem>>)
      tpu.yield
    }) : () -> ()
    %iota3A = tpu.iota {dimensions = array<i32: 0>} : vector<16xi32>
    %dma_start3A = arith.constant 0 : i32
    %dma_start3A_3 = tpu.memref_slice %arg7[%dma_start3A] : memref<10000xi32, #tpu.memory_space<vmem>> -> memref<80xi32, #tpu.memory_space<vmem>>
    %dma_start3A_4 = arith.constant 0 : i32
    %dma_start3A_5 = arith.constant 0 : i32
    %dma_start3A_6 = tpu.memref_slice %arg2[%dma_start3A_4, %dma_start3A_5] : memref<10000x128xf32, #tpu.memory_space<hbm>> -> memref<10000x128xf32, #tpu.memory_space<hbm>>
    tpu.enqueue_indirect_dma source(%dma_start3A_6 : memref<10000x128xf32, #tpu.memory_space<hbm>>) target(%arg10 : memref<80x128xf32, #tpu.memory_space<vmem>>) offsets(%dma_start3A_3 : memref<80xi32, #tpu.memory_space<vmem>>) semaphore(%arg14 : memref<!tpu.dma_semaphore, #tpu.memory_space<semaphore_mem>>)
    %dma_start3A_7 = arith.constant 0 : i32
    %dma_start3A_8 = tpu.memref_slice %arg8[%dma_start3A_7] : memref<10000xi32, #tpu.memory_space<vmem>> -> memref<80xi32, #tpu.memory_space<vmem>>
    %dma_start3A_9 = arith.constant 0 : i32
    %dma_start3A_10 = arith.constant 0 : i32
    %dma_start3A_11 = tpu.memref_slice %arg3[%dma_start3A_9, %dma_start3A_10] : memref<10000x128xf32, #tpu.memory_space<hbm>> -> memref<10000x128xf32, #tpu.memory_space<hbm>>
    tpu.enqueue_indirect_dma source(%dma_start3A_11 : memref<10000x128xf32, #tpu.memory_space<hbm>>) target(%arg11 : memref<80x128xf32, #tpu.memory_space<vmem>>) offsets(%dma_start3A_8 : memref<80xi32, #tpu.memory_space<vmem>>) semaphore(%arg15 : memref<!tpu.dma_semaphore, #tpu.memory_space<semaphore_mem>>)
    %scan3A = arith.constant 0 : i32
    %scan3A_12 = arith.constant 0 : i32
    %scan3A_13 = arith.constant 62 : i32
    %scan3A_14 = arith.addi %scan3A_12, %scan3A_13 : i32
    %scan3A_15 = arith.constant 1 : i32
    %scan3A_16 = scf.for %scan3A_31 = %scan3A_12 to %scan3A_14 step %scan3A_15 iter_args(%scan3A_32 = %scan3A) -> (i32)  : i32 {
      %mul3A_33 = arith.constant 2 : i32
      %mul3A_34 = arith.muli %mul3A_33, %scan3A_31 : i32
      %add3A_35 = arith.constant 1 : i32
      %add3A_36 = arith.addi %mul3A_34, %add3A_35 : i32
      %mul3A_37 = arith.constant 80 : i32
      %mul3A_38 = arith.muli %add3A_36, %mul3A_37 : i32
      %dma_start3A_39 = tpu.memref_slice %arg7[%mul3A_38] : memref<10000xi32, #tpu.memory_space<vmem>> -> memref<80xi32, #tpu.memory_space<vmem>>
      %dma_start3A_40 = arith.constant 0 : i32
      %dma_start3A_41 = arith.constant 0 : i32
      %dma_start3A_42 = tpu.memref_slice %arg2[%dma_start3A_40, %dma_start3A_41] : memref<10000x128xf32, #tpu.memory_space<hbm>> -> memref<10000x128xf32, #tpu.memory_space<hbm>>
      tpu.enqueue_indirect_dma source(%dma_start3A_42 : memref<10000x128xf32, #tpu.memory_space<hbm>>) target(%arg12 : memref<80x128xf32, #tpu.memory_space<vmem>>) offsets(%dma_start3A_39 : memref<80xi32, #tpu.memory_space<vmem>>) semaphore(%arg16 : memref<!tpu.dma_semaphore, #tpu.memory_space<semaphore_mem>>)
      %mul3A_43 = arith.constant 80 : i32
      %mul3A_44 = arith.muli %add3A_36, %mul3A_43 : i32
      %dma_start3A_45 = tpu.memref_slice %arg8[%mul3A_44] : memref<10000xi32, #tpu.memory_space<vmem>> -> memref<80xi32, #tpu.memory_space<vmem>>
      %dma_start3A_46 = arith.constant 0 : i32
      %dma_start3A_47 = arith.constant 0 : i32
      %dma_start3A_48 = tpu.memref_slice %arg3[%dma_start3A_46, %dma_start3A_47] : memref<10000x128xf32, #tpu.memory_space<hbm>> -> memref<10000x128xf32, #tpu.memory_space<hbm>>
      tpu.enqueue_indirect_dma source(%dma_start3A_48 : memref<10000x128xf32, #tpu.memory_space<hbm>>) target(%arg13 : memref<80x128xf32, #tpu.memory_space<vmem>>) offsets(%dma_start3A_45 : memref<80xi32, #tpu.memory_space<vmem>>) semaphore(%arg17 : memref<!tpu.dma_semaphore, #tpu.memory_space<semaphore_mem>>)
      %dma_wait3A_49 = arith.constant 0 : i32
      %dma_wait3A_50 = arith.constant 0 : i32
      %dma_wait3A_51 = tpu.memref_slice %arg2[%dma_wait3A_49, %dma_wait3A_50] : memref<10000x128xf32, #tpu.memory_space<hbm>> -> memref<80x128xf32, #tpu.memory_space<hbm>>
      %dma_wait3A_52 = arith.constant 0 : i32
      %dma_wait3A_53 = arith.constant 0 : i32
      %dma_wait3A_54 = tpu.memref_slice %arg2[%dma_wait3A_52, %dma_wait3A_53] : memref<10000x128xf32, #tpu.memory_space<hbm>> -> memref<80x128xf32, #tpu.memory_space<hbm>>
      tpu.wait_dma2 semaphore(%arg14 : memref<!tpu.dma_semaphore, #tpu.memory_space<semaphore_mem>>) src(%dma_wait3A_54 : memref<80x128xf32, #tpu.memory_space<hbm>>) dst(%arg10 : memref<80x128xf32, #tpu.memory_space<vmem>>)
      %dma_wait3A_55 = arith.constant 0 : i32
      %dma_wait3A_56 = arith.constant 0 : i32
      %dma_wait3A_57 = tpu.memref_slice %arg3[%dma_wait3A_55, %dma_wait3A_56] : memref<10000x128xf32, #tpu.memory_space<hbm>> -> memref<80x128xf32, #tpu.memory_space<hbm>>
      %dma_wait3A_58 = arith.constant 0 : i32
      %dma_wait3A_59 = arith.constant 0 : i32
      %dma_wait3A_60 = tpu.memref_slice %arg3[%dma_wait3A_58, %dma_wait3A_59] : memref<10000x128xf32, #tpu.memory_space<hbm>> -> memref<80x128xf32, #tpu.memory_space<hbm>>
      tpu.wait_dma2 semaphore(%arg15 : memref<!tpu.dma_semaphore, #tpu.memory_space<semaphore_mem>>) src(%dma_wait3A_60 : memref<80x128xf32, #tpu.memory_space<hbm>>) dst(%arg11 : memref<80x128xf32, #tpu.memory_space<vmem>>)
      %sub3A = arith.constant 1 : i32
      %sub3A_61 = arith.subi %add3A_36, %sub3A : i32
      %parallel_loop3A_62 = arith.constant 0 : i32
      %parallel_loop3A_63 = arith.constant 5 : i32
      %parallel_loop3A_64 = arith.constant 1 : i32
      scf.for %parallel_loop3A_95 = %parallel_loop3A_62 to %parallel_loop3A_63 step %parallel_loop3A_64  : i32 {
        %parallel_loop3A_96 = arith.constant 16 : i32
        %parallel_loop3A_97 = arith.muli %parallel_loop3A_95, %parallel_loop3A_96 : i32
        %parallel_loop3A_98 = vector.broadcast %parallel_loop3A_97 : i32 to vector<16xi32>
        %parallel_loop3A_99 = arith.addi %parallel_loop3A_98, %iota3A : vector<16xi32>
        %parallel_loop3A_100 = arith.constant 0.000000e+00 : f32
        %parallel_loop3A_101 = vector.broadcast %parallel_loop3A_100 : f32 to vector<16xf32>
        %parallel_loop3A_102 = arith.constant 0 : i32
        %parallel_loop3A_103 = arith.constant 128 : i32
        %parallel_loop3A_104 = arith.constant 2 : i32
        %parallel_loop3A_105:2 = scf.for %parallel_loop3A_114 = %parallel_loop3A_102 to %parallel_loop3A_103 step %parallel_loop3A_104 iter_args(%parallel_loop3A_115 = %parallel_loop3A_101, %parallel_loop3A_116 = %parallel_loop3A_101) -> (vector<16xf32>, vector<16xf32>)  : i32 {
          %parallel_loop3A_117 = vector.broadcast %parallel_loop3A_114 : i32 to vector<16xi32>
          %parallel_loop3A_118 = arith.addi %iota3A, %parallel_loop3A_117 : vector<16xi32>
          %parallel_loop3A_119 = arith.constant 127 : i32
          %parallel_loop3A_120 = vector.broadcast %parallel_loop3A_119 : i32 to vector<16xi32>
          %parallel_loop3A_121 = arith.andi %parallel_loop3A_118, %parallel_loop3A_120 : vector<16xi32>
          %parallel_loop3A_122 = arith.constant 1 : i32
          %parallel_loop3A_123 = vector.broadcast %parallel_loop3A_122 : i32 to vector<16xi32>
          %parallel_loop3A_124 = arith.addi %parallel_loop3A_121, %parallel_loop3A_123 : vector<16xi32>
          %parallel_loop3A_125 = arith.constant 127 : i32
          %parallel_loop3A_126 = vector.broadcast %parallel_loop3A_125 : i32 to vector<16xi32>
          %parallel_loop3A_127 = arith.andi %parallel_loop3A_124, %parallel_loop3A_126 : vector<16xi32>
          %parallel_loop3A_128 = tpu.vector_load_idx %arg10[%parallel_loop3A_99, %parallel_loop3A_121] : memref<80x128xf32, #tpu.memory_space<vmem>>[vector<16xi32>, vector<16xi32>], vector<16xf32>,
          %parallel_loop3A_129 = tpu.vector_load_idx %arg11[%parallel_loop3A_99, %parallel_loop3A_121] : memref<80x128xf32, #tpu.memory_space<vmem>>[vector<16xi32>, vector<16xi32>], vector<16xf32>,
          %parallel_loop3A_130 = arith.mulf %parallel_loop3A_128, %parallel_loop3A_129 : vector<16xf32>
          %parallel_loop3A_131 = arith.addf %parallel_loop3A_115, %parallel_loop3A_130 : vector<16xf32>
          %parallel_loop3A_132 = tpu.vector_load_idx %arg10[%parallel_loop3A_99, %parallel_loop3A_127] : memref<80x128xf32, #tpu.memory_space<vmem>>[vector<16xi32>, vector<16xi32>], vector<16xf32>,
          %parallel_loop3A_133 = tpu.vector_load_idx %arg11[%parallel_loop3A_99, %parallel_loop3A_127] : memref<80x128xf32, #tpu.memory_space<vmem>>[vector<16xi32>, vector<16xi32>], vector<16xf32>,
          %parallel_loop3A_134 = arith.mulf %parallel_loop3A_132, %parallel_loop3A_133 : vector<16xf32>
          %parallel_loop3A_135 = arith.addf %parallel_loop3A_116, %parallel_loop3A_134 : vector<16xf32>
          scf.yield %parallel_loop3A_131, %parallel_loop3A_135 : vector<16xf32>, vector<16xf32>
        } {sc.loop_unroll_factor = 16 : i64, sc.parallel_access}
        %parallel_loop3A_106 = arith.addf %parallel_loop3A_105#0, %parallel_loop3A_105#1 : vector<16xf32>
        %parallel_loop3A_107 = arith.constant 80 : i32
        %parallel_loop3A_108 = arith.muli %sub3A_61, %parallel_loop3A_107 : i32
        %parallel_loop3A_109 = arith.constant 16 : i32
        %parallel_loop3A_110 = arith.muli %parallel_loop3A_95, %parallel_loop3A_109 : i32
        %parallel_loop3A_111 = arith.addi %parallel_loop3A_108, %parallel_loop3A_110 : i32
        %parallel_loop3A_112 = arith.index_cast %parallel_loop3A_111 : i32 to index
        %parallel_loop3A_113 = tpu.vector_load %arg9[%parallel_loop3A_112] {strides = array<i32>} : memref<10000xf32, #tpu.memory_space<vmem>>, vector<16xf32>,
        tpu.vector_store %arg9[%parallel_loop3A_112], %parallel_loop3A_106 {strides = array<i32>} : memref<10000xf32, #tpu.memory_space<vmem>>, vector<16xf32>,
      } {sc.loop_unroll_factor = 1 : i64, sc.parallel_access}
      %add3A_65 = arith.constant 1 : i32
      %add3A_66 = arith.addi %add3A_36, %add3A_65 : i32
      %mul3A_67 = arith.constant 80 : i32
      %mul3A_68 = arith.muli %add3A_66, %mul3A_67 : i32
      %dma_start3A_69 = tpu.memref_slice %arg7[%mul3A_68] : memref<10000xi32, #tpu.memory_space<vmem>> -> memref<80xi32, #tpu.memory_space<vmem>>
      %dma_start3A_70 = arith.constant 0 : i32
      %dma_start3A_71 = arith.constant 0 : i32
      %dma_start3A_72 = tpu.memref_slice %arg2[%dma_start3A_70, %dma_start3A_71] : memref<10000x128xf32, #tpu.memory_space<hbm>> -> memref<10000x128xf32, #tpu.memory_space<hbm>>
      tpu.enqueue_indirect_dma source(%dma_start3A_72 : memref<10000x128xf32, #tpu.memory_space<hbm>>) target(%arg10 : memref<80x128xf32, #tpu.memory_space<vmem>>) offsets(%dma_start3A_69 : memref<80xi32, #tpu.memory_space<vmem>>) semaphore(%arg14 : memref<!tpu.dma_semaphore, #tpu.memory_space<semaphore_mem>>)
      %mul3A_73 = arith.constant 80 : i32
      %mul3A_74 = arith.muli %add3A_66, %mul3A_73 : i32
      %dma_start3A_75 = tpu.memref_slice %arg8[%mul3A_74] : memref<10000xi32, #tpu.memory_space<vmem>> -> memref<80xi32, #tpu.memory_space<vmem>>
      %dma_start3A_76 = arith.constant 0 : i32
      %dma_start3A_77 = arith.constant 0 : i32
      %dma_start3A_78 = tpu.memref_slice %arg3[%dma_start3A_76, %dma_start3A_77] : memref<10000x128xf32, #tpu.memory_space<hbm>> -> memref<10000x128xf32, #tpu.memory_space<hbm>>
      tpu.enqueue_indirect_dma source(%dma_start3A_78 : memref<10000x128xf32, #tpu.memory_space<hbm>>) target(%arg11 : memref<80x128xf32, #tpu.memory_space<vmem>>) offsets(%dma_start3A_75 : memref<80xi32, #tpu.memory_space<vmem>>) semaphore(%arg15 : memref<!tpu.dma_semaphore, #tpu.memory_space<semaphore_mem>>)
      %dma_wait3A_79 = arith.constant 0 : i32
      %dma_wait3A_80 = arith.constant 0 : i32
      %dma_wait3A_81 = tpu.memref_slice %arg2[%dma_wait3A_79, %dma_wait3A_80] : memref<10000x128xf32, #tpu.memory_space<hbm>> -> memref<80x128xf32, #tpu.memory_space<hbm>>
      %dma_wait3A_82 = arith.constant 0 : i32
      %dma_wait3A_83 = arith.constant 0 : i32
      %dma_wait3A_84 = tpu.memref_slice %arg2[%dma_wait3A_82, %dma_wait3A_83] : memref<10000x128xf32, #tpu.memory_space<hbm>> -> memref<80x128xf32, #tpu.memory_space<hbm>>
      tpu.wait_dma2 semaphore(%arg16 : memref<!tpu.dma_semaphore, #tpu.memory_space<semaphore_mem>>) src(%dma_wait3A_84 : memref<80x128xf32, #tpu.memory_space<hbm>>) dst(%arg12 : memref<80x128xf32, #tpu.memory_space<vmem>>)
      %dma_wait3A_85 = arith.constant 0 : i32
      %dma_wait3A_86 = arith.constant 0 : i32
      %dma_wait3A_87 = tpu.memref_slice %arg3[%dma_wait3A_85, %dma_wait3A_86] : memref<10000x128xf32, #tpu.memory_space<hbm>> -> memref<80x128xf32, #tpu.memory_space<hbm>>
      %dma_wait3A_88 = arith.constant 0 : i32
      %dma_wait3A_89 = arith.constant 0 : i32
      %dma_wait3A_90 = tpu.memref_slice %arg3[%dma_wait3A_88, %dma_wait3A_89] : memref<10000x128xf32, #tpu.memory_space<hbm>> -> memref<80x128xf32, #tpu.memory_space<hbm>>
      tpu.wait_dma2 semaphore(%arg17 : memref<!tpu.dma_semaphore, #tpu.memory_space<semaphore_mem>>) src(%dma_wait3A_90 : memref<80x128xf32, #tpu.memory_space<hbm>>) dst(%arg13 : memref<80x128xf32, #tpu.memory_space<vmem>>)
      %parallel_loop3A_91 = arith.constant 0 : i32
      %parallel_loop3A_92 = arith.constant 5 : i32
      %parallel_loop3A_93 = arith.constant 1 : i32
      scf.for %parallel_loop3A_95 = %parallel_loop3A_91 to %parallel_loop3A_92 step %parallel_loop3A_93  : i32 {
        %parallel_loop3A_96 = arith.constant 16 : i32
        %parallel_loop3A_97 = arith.muli %parallel_loop3A_95, %parallel_loop3A_96 : i32
        %parallel_loop3A_98 = vector.broadcast %parallel_loop3A_97 : i32 to vector<16xi32>
        %parallel_loop3A_99 = arith.addi %parallel_loop3A_98, %iota3A : vector<16xi32>
        %parallel_loop3A_100 = arith.constant 0.000000e+00 : f32
        %parallel_loop3A_101 = vector.broadcast %parallel_loop3A_100 : f32 to vector<16xf32>
        %parallel_loop3A_102 = arith.constant 0 : i32
        %parallel_loop3A_103 = arith.constant 128 : i32
        %parallel_loop3A_104 = arith.constant 2 : i32
        %parallel_loop3A_105:2 = scf.for %parallel_loop3A_114 = %parallel_loop3A_102 to %parallel_loop3A_103 step %parallel_loop3A_104 iter_args(%parallel_loop3A_115 = %parallel_loop3A_101, %parallel_loop3A_116 = %parallel_loop3A_101) -> (vector<16xf32>, vector<16xf32>)  : i32 {
          %parallel_loop3A_117 = vector.broadcast %parallel_loop3A_114 : i32 to vector<16xi32>
          %parallel_loop3A_118 = arith.addi %iota3A, %parallel_loop3A_117 : vector<16xi32>
          %parallel_loop3A_119 = arith.constant 127 : i32
          %parallel_loop3A_120 = vector.broadcast %parallel_loop3A_119 : i32 to vector<16xi32>
          %parallel_loop3A_121 = arith.andi %parallel_loop3A_118, %parallel_loop3A_120 : vector<16xi32>
          %parallel_loop3A_122 = arith.constant 1 : i32
          %parallel_loop3A_123 = vector.broadcast %parallel_loop3A_122 : i32 to vector<16xi32>
          %parallel_loop3A_124 = arith.addi %parallel_loop3A_121, %parallel_loop3A_123 : vector<16xi32>
          %parallel_loop3A_125 = arith.constant 127 : i32
          %parallel_loop3A_126 = vector.broadcast %parallel_loop3A_125 : i32 to vector<16xi32>
          %parallel_loop3A_127 = arith.andi %parallel_loop3A_124, %parallel_loop3A_126 : vector<16xi32>
          %parallel_loop3A_128 = tpu.vector_load_idx %arg12[%parallel_loop3A_99, %parallel_loop3A_121] : memref<80x128xf32, #tpu.memory_space<vmem>>[vector<16xi32>, vector<16xi32>], vector<16xf32>,
          %parallel_loop3A_129 = tpu.vector_load_idx %arg13[%parallel_loop3A_99, %parallel_loop3A_121] : memref<80x128xf32, #tpu.memory_space<vmem>>[vector<16xi32>, vector<16xi32>], vector<16xf32>,
          %parallel_loop3A_130 = arith.mulf %parallel_loop3A_128, %parallel_loop3A_129 : vector<16xf32>
          %parallel_loop3A_131 = arith.addf %parallel_loop3A_115, %parallel_loop3A_130 : vector<16xf32>
          %parallel_loop3A_132 = tpu.vector_load_idx %arg12[%parallel_loop3A_99, %parallel_loop3A_127] : memref<80x128xf32, #tpu.memory_space<vmem>>[vector<16xi32>, vector<16xi32>], vector<16xf32>,
          %parallel_loop3A_133 = tpu.vector_load_idx %arg13[%parallel_loop3A_99, %parallel_loop3A_127] : memref<80x128xf32, #tpu.memory_space<vmem>>[vector<16xi32>, vector<16xi32>], vector<16xf32>,
          %parallel_loop3A_134 = arith.mulf %parallel_loop3A_132, %parallel_loop3A_133 : vector<16xf32>
          %parallel_loop3A_135 = arith.addf %parallel_loop3A_116, %parallel_loop3A_134 : vector<16xf32>
          scf.yield %parallel_loop3A_131, %parallel_loop3A_135 : vector<16xf32>, vector<16xf32>
        } {sc.loop_unroll_factor = 16 : i64, sc.parallel_access}
        %parallel_loop3A_106 = arith.addf %parallel_loop3A_105#0, %parallel_loop3A_105#1 : vector<16xf32>
        %parallel_loop3A_107 = arith.constant 80 : i32
        %parallel_loop3A_108 = arith.muli %add3A_36, %parallel_loop3A_107 : i32
        %parallel_loop3A_109 = arith.constant 16 : i32
        %parallel_loop3A_110 = arith.muli %parallel_loop3A_95, %parallel_loop3A_109 : i32
        %parallel_loop3A_111 = arith.addi %parallel_loop3A_108, %parallel_loop3A_110 : i32
        %parallel_loop3A_112 = arith.index_cast %parallel_loop3A_111 : i32 to index
        %parallel_loop3A_113 = tpu.vector_load %arg9[%parallel_loop3A_112] {strides = array<i32>} : memref<10000xf32, #tpu.memory_space<vmem>>, vector<16xf32>,
        tpu.vector_store %arg9[%parallel_loop3A_112], %parallel_loop3A_106 {strides = array<i32>} : memref<10000xf32, #tpu.memory_space<vmem>>, vector<16xf32>,
      } {sc.loop_unroll_factor = 1 : i64, sc.parallel_access}
      %scan3A_94 = arith.constant 0 : i32
      scf.yield %scan3A_94 : i32
    }
    %scan3A_17 = arith.constant 62 : i32
    %dma_wait3A = arith.constant 0 : i32
    %dma_wait3A_18 = arith.constant 0 : i32
    %dma_wait3A_19 = tpu.memref_slice %arg2[%dma_wait3A, %dma_wait3A_18] : memref<10000x128xf32, #tpu.memory_space<hbm>> -> memref<80x128xf32, #tpu.memory_space<hbm>>
    %dma_wait3A_20 = arith.constant 0 : i32
    %dma_wait3A_21 = arith.constant 0 : i32
    %dma_wait3A_22 = tpu.memref_slice %arg2[%dma_wait3A_20, %dma_wait3A_21] : memref<10000x128xf32, #tpu.memory_space<hbm>> -> memref<80x128xf32, #tpu.memory_space<hbm>>
    tpu.wait_dma2 semaphore(%arg14 : memref<!tpu.dma_semaphore, #tpu.memory_space<semaphore_mem>>) src(%dma_wait3A_22 : memref<80x128xf32, #tpu.memory_space<hbm>>) dst(%arg10 : memref<80x128xf32, #tpu.memory_space<vmem>>)
    %dma_wait3A_23 = arith.constant 0 : i32
    %dma_wait3A_24 = arith.constant 0 : i32
    %dma_wait3A_25 = tpu.memref_slice %arg3[%dma_wait3A_23, %dma_wait3A_24] : memref<10000x128xf32, #tpu.memory_space<hbm>> -> memref<80x128xf32, #tpu.memory_space<hbm>>
    %dma_wait3A_26 = arith.constant 0 : i32
    %dma_wait3A_27 = arith.constant 0 : i32
    %dma_wait3A_28 = tpu.memref_slice %arg3[%dma_wait3A_26, %dma_wait3A_27] : memref<10000x128xf32, #tpu.memory_space<hbm>> -> memref<80x128xf32, #tpu.memory_space<hbm>>
    tpu.wait_dma2 semaphore(%arg15 : memref<!tpu.dma_semaphore, #tpu.memory_space<semaphore_mem>>) src(%dma_wait3A_28 : memref<80x128xf32, #tpu.memory_space<hbm>>) dst(%arg11 : memref<80x128xf32, #tpu.memory_space<vmem>>)
    %parallel_loop3A = arith.constant 0 : i32
    %parallel_loop3A_29 = arith.constant 5 : i32
    %parallel_loop3A_30 = arith.constant 1 : i32
    scf.for %parallel_loop3A_31 = %parallel_loop3A to %parallel_loop3A_29 step %parallel_loop3A_30  : i32 {
      %parallel_loop3A_32 = arith.constant 16 : i32
      %parallel_loop3A_33 = arith.muli %parallel_loop3A_31, %parallel_loop3A_32 : i32
      %parallel_loop3A_34 = vector.broadcast %parallel_loop3A_33 : i32 to vector<16xi32>
      %parallel_loop3A_35 = arith.addi %parallel_loop3A_34, %iota3A : vector<16xi32>
      %parallel_loop3A_36 = arith.constant 0.000000e+00 : f32
      %parallel_loop3A_37 = vector.broadcast %parallel_loop3A_36 : f32 to vector<16xf32>
      %parallel_loop3A_38 = arith.constant 0 : i32
      %parallel_loop3A_39 = arith.constant 128 : i32
      %parallel_loop3A_40 = arith.constant 2 : i32
      %parallel_loop3A_41:2 = scf.for %parallel_loop3A_49 = %parallel_loop3A_38 to %parallel_loop3A_39 step %parallel_loop3A_40 iter_args(%parallel_loop3A_50 = %parallel_loop3A_37, %parallel_loop3A_51 = %parallel_loop3A_37) -> (vector<16xf32>, vector<16xf32>)  : i32 {
        %parallel_loop3A_52 = vector.broadcast %parallel_loop3A_49 : i32 to vector<16xi32>
        %parallel_loop3A_53 = arith.addi %iota3A, %parallel_loop3A_52 : vector<16xi32>
        %parallel_loop3A_54 = arith.constant 127 : i32
        %parallel_loop3A_55 = vector.broadcast %parallel_loop3A_54 : i32 to vector<16xi32>
        %parallel_loop3A_56 = arith.andi %parallel_loop3A_53, %parallel_loop3A_55 : vector<16xi32>
        %parallel_loop3A_57 = arith.constant 1 : i32
        %parallel_loop3A_58 = vector.broadcast %parallel_loop3A_57 : i32 to vector<16xi32>
        %parallel_loop3A_59 = arith.addi %parallel_loop3A_56, %parallel_loop3A_58 : vector<16xi32>
        %parallel_loop3A_60 = arith.constant 127 : i32
        %parallel_loop3A_61 = vector.broadcast %parallel_loop3A_60 : i32 to vector<16xi32>
        %parallel_loop3A_62 = arith.andi %parallel_loop3A_59, %parallel_loop3A_61 : vector<16xi32>
        %parallel_loop3A_63 = tpu.vector_load_idx %arg10[%parallel_loop3A_35, %parallel_loop3A_56] : memref<80x128xf32, #tpu.memory_space<vmem>>[vector<16xi32>, vector<16xi32>], vector<16xf32>,
        %parallel_loop3A_64 = tpu.vector_load_idx %arg11[%parallel_loop3A_35, %parallel_loop3A_56] : memref<80x128xf32, #tpu.memory_space<vmem>>[vector<16xi32>, vector<16xi32>], vector<16xf32>,
        %parallel_loop3A_65 = arith.mulf %parallel_loop3A_63, %parallel_loop3A_64 : vector<16xf32>
        %parallel_loop3A_66 = arith.addf %parallel_loop3A_50, %parallel_loop3A_65 : vector<16xf32>
        %parallel_loop3A_67 = tpu.vector_load_idx %arg10[%parallel_loop3A_35, %parallel_loop3A_62] : memref<80x128xf32, #tpu.memory_space<vmem>>[vector<16xi32>, vector<16xi32>], vector<16xf32>,
        %parallel_loop3A_68 = tpu.vector_load_idx %arg11[%parallel_loop3A_35, %parallel_loop3A_62] : memref<80x128xf32, #tpu.memory_space<vmem>>[vector<16xi32>, vector<16xi32>], vector<16xf32>,
        %parallel_loop3A_69 = arith.mulf %parallel_loop3A_67, %parallel_loop3A_68 : vector<16xf32>
        %parallel_loop3A_70 = arith.addf %parallel_loop3A_51, %parallel_loop3A_69 : vector<16xf32>
        scf.yield %parallel_loop3A_66, %parallel_loop3A_70 : vector<16xf32>, vector<16xf32>
      } {sc.loop_unroll_factor = 16 : i64, sc.parallel_access}
      %parallel_loop3A_42 = arith.addf %parallel_loop3A_41#0, %parallel_loop3A_41#1 : vector<16xf32>
      %parallel_loop3A_43 = arith.constant 16 : i32
      %parallel_loop3A_44 = arith.muli %parallel_loop3A_31, %parallel_loop3A_43 : i32
      %parallel_loop3A_45 = arith.constant 9920 : i32
      %parallel_loop3A_46 = arith.addi %parallel_loop3A_45, %parallel_loop3A_44 : i32
      %parallel_loop3A_47 = arith.index_cast %parallel_loop3A_46 : i32 to index
      %parallel_loop3A_48 = tpu.vector_load %arg9[%parallel_loop3A_47] {strides = array<i32>} : memref<10000xf32, #tpu.memory_space<vmem>>, vector<16xf32>,
      tpu.vector_store %arg9[%parallel_loop3A_47], %parallel_loop3A_42 {strides = array<i32>} : memref<10000xf32, #tpu.memory_space<vmem>>, vector<16xf32>,
    } {sc.loop_unroll_factor = 1 : i64, sc.parallel_access}
    "tpu.region"() ({
      %run_scoped3A = tpu.sem_alloc : memref<!tpu.dma_semaphore, #tpu.memory_space<semaphore_mem>>
      %dma_start3A_31 = tpu.memref_slice %arg6[%mul3A_2] : memref<320000xf32, #tpu.memory_space<hbm>> -> memref<10000xf32, #tpu.memory_space<hbm>>
      %dma_start3A_32 = tpu.memref_slice %arg6[%mul3A_2] : memref<320000xf32, #tpu.memory_space<hbm>> -> memref<10000xf32, #tpu.memory_space<hbm>>
      tpu.enqueue_dma source(%arg9 : memref<10000xf32, #tpu.memory_space<vmem>>) target(%dma_start3A_32 : memref<10000xf32, #tpu.memory_space<hbm>>) target_semaphore(%run_scoped3A : memref<!tpu.dma_semaphore, #tpu.memory_space<semaphore_mem>>)
      %dma_wait3A_33 = tpu.memref_slice %arg6[%mul3A_2] : memref<320000xf32, #tpu.memory_space<hbm>> -> memref<10000xf32, #tpu.memory_space<hbm>>
      %dma_wait3A_34 = tpu.memref_slice %arg6[%mul3A_2] : memref<320000xf32, #tpu.memory_space<hbm>> -> memref<10000xf32, #tpu.memory_space<hbm>>
      tpu.wait_dma2 semaphore(%run_scoped3A : memref<!tpu.dma_semaphore, #tpu.memory_space<semaphore_mem>>) src(%arg9 : memref<10000xf32, #tpu.memory_space<vmem>>) dst(%dma_wait3A_34 : memref<10000xf32, #tpu.memory_space<hbm>>)
      tpu.yield
    }) : () -> ()
    return
  }
}

</mosaic_0001>

<sc_bundles>
// kernel: _decoder.3.cloned.1.call-start
scs
__scs_entry_jumppad:
0x0: {  	(pc) =	sbr.rel $0x88, $3  }
0x1: {  	(tag) =	ssettag $0x0;
	lr =	simm.s32 $0x1  }
0x2: {  	[smem:$0x3F9D] =	sst lr;
	_ =	strace $0xD0000000  }
0x3: {  	_ = 	snop  }
0x4: {  	_ = 	snop  }
0x5: {  	_ = 	snop  }
0x6: {  	_ = 	snop  }
0x7: {  	_ = 	snop  }
__scs_overlays_trampoline_lowered:
0x8: {  	[smem:$0x3FAC] =	sst s0  }
0x9: {  	[smem:$0x3FAD] =	sst s1  }
0xa: {  	[smem:$0x3FAE] =	sst s2  }
0xb: {  	[smem:$0x3FAF] =	sst s3  }
0xc: {  	[smem:$0x3FB0] =	sst s4  }
0xd: {  	[smem:$0x3FB1] =	sst s5  }
0xe: {  	[smem:$0x3FB2] =	sst s6  }
0xf: {  	[smem:$0x3FB3] =	sst s7  }
0x10: {  	[smem:$0x3FB4] =	sst s8  }
0x11: {  	[smem:$0x3FB5] =	sst s9;
	s0 =	simm.s32 @!p0 $0x0  }
0x12: {  	s1 =	sld [smem:$0x3F9B];
	s0 =	simm.s32 @p0 $0x1  }
0x13: {  	[smem:$0x3FB6] =	sst s0;
	s0 =	simm.s32 @!p1 $0x0  }
0x14: {  	s2 =	sld [smem:$0x3F9A];
	s0 =	simm.s32 @p1 $0x1  }
0x15: {  	[smem:$0x3FB7] =	sst s0;
	s0 =	simm.s32 @!p2 $0x0  }
0x16: {  	s3 =	sld [smem:$0x3FDB];
	s0 =	simm.s32 @p2 $0x1  }
0x17: {  	s4 =	simm.s32 $0x1BF5;
	[smem:$0x3FB9] =	sst s0  }
0x18: {  	s0 =	sld [smem:$0x3F9C];
	_ =	swait.ge [sflag:s4], $0x0  }
0x19: {  	s7 =	sld [smem:$0x3F9D]  }
0x1a: {  	s8 =	sadd.s32 $0xFFFFE003, lr  }
0x1b: {  	s9 =	sadd.s32 $0xFFFFFEF7, lr;
	s5 =	simm.s32 $0xFFFFFFFF;
	p2 =	slt.u32 s8, $0xFFFFF086  }
0x1c: {  	p1 =	slt.u32 s9, $0xF7A;
	s5 =	simm.s32 @!p2 $0x0  }
0x1d: {  	s5 =	simm.s32 @p1 $0x1;
	p0 =	seq.s32 s7, s2  }
0x1e: {  	s7 =	smul.u32 @!p0 $0xF7A, s2;
	p2 =	seq.s32 @!p0 s5, $0x0  }
0x1f: {  	s9 =	smul.u32 $0xF7A, s1;
	s8 =	simm.s32 @!p0 $0x1BF5;
	p2 =	por !p2, p0  }
0x20: {  	[sflag:s8] =	ssyncset.s32 @!p0 $0xFFFFF086;
	s6 =	sadd.s32 @!p0 s3, s7;
	s7 =	simm.s32 @!p0 $0x108  }
0x21: {  	s3 =	sadd.s32 s3, s9;
	s6 =	sadd.s32 @!p0 $0x88, s6;
	s7 =	simm.s32 @p2 $0x1082  }
0x22: {  	[simem:s7], [sflag:s8] =	dma.local @!p0 [hbm:s6], $0xF7A  }
0x23: {  	s9 =	sor.u32 $0xD0000000, s2;
	s6 =	simm.s32 $0x108;
	_ =	swait.ge @!p0 [sflag:s8], $0x0  }
0x24: {  	s3 =	sadd.s32 $0x88, s3;
	s6 =	simm.s32 @!p1 $0x1082;
	[sflag:s4] =	ssyncset.s32 $0xFFFFF086  }
0x25: {  	[simem:s6], [sflag:s4] =	dma.local [hbm:s3], $0xF7A  }
0x26: {  	[smem:$0x3F9D] =	sst s1;
	(tag) =	ssettag s2;
	_ =	strace s9  }
0x27: {  	s1 =	sld [smem:$0x3FAD]  }
0x28: {  	s2 =	sld [smem:$0x3FAE]  }
0x29: {  	s4 =	sld [smem:$0x3FB0]  }
0x2a: {  	p0 =	seq.s32 s5, $0x0;
	s5 =	sld [smem:$0x3FB1]  }
0x2b: {  	s6 =	sld [smem:$0x3FB2]  }
0x2c: {  	s7 =	sld [smem:$0x3FB3]  }
0x2d: {  	s3 =	simm.s32 $0x108;
	s8 =	sld [smem:$0x3FB4]  }
0x2e: {  	s3 =	simm.s32 @!p0 $0x1082;
	s9 =	sld [smem:$0x3FB5]  }
0x2f: {  	lr =	sadd.s32 s0, s3;
	s0 =	sld [smem:$0x3FAC]  }
0x30: {  	s3 =	sld [smem:$0x3FAF]  }
0x31: {  	[smem:$0x3FB8] =	sst s10  }
0x32: {  	s10 =	sld [smem:$0x3FB6];
	_ =	sdelay $0x3  }
0x33: {  	p0 =	seq.s32 s10, $0x1;
	s10 =	sld [smem:$0x3FB8];
	_ =	sdelay $0x3  }
0x34: {  	[smem:$0x3FB8] =	sst s10  }
0x35: {  	s10 =	sld [smem:$0x3FB7];
	_ =	sdelay $0x3  }
0x36: {  	p1 =	seq.s32 s10, $0x1;
	s10 =	sld [smem:$0x3FB8];
	_ =	sdelay $0x3  }
0x37: {  	[smem:$0x3FB8] =	sst s10  }
0x38: {  	s10 =	sld [smem:$0x3FB9]  }
0x39: {  	_ = 	snop;
	(pc) =	sbr.ind lr, $3  }
0x3a: {  	_ = 	snop  }
0x3b: {  	_ = 	snop  }
0x3c: {  	p2 =	seq.s32 s10, $0x1;
	s10 =	sld [smem:$0x3FB8]  }
0x3d: {  	_ =	shalt  }
0x3e: {  	_ =	shalt  }
0x3f: {  	_ =	shalt  }
0x40: {  	_ =	shalt  }
0x41: {  	_ =	shalt  }
0x42: {  	_ =	shalt  }
0x43: {  	_ =	shalt  }
0x44: {  	_ =	shalt  }
0x45: {  	_ =	shalt  }
0x46: {  	_ =	shalt  }
0x47: {  	_ =	shalt  }
0x48: {  	_ =	shalt  }
0x49: {  	_ =	shalt  }
0x4a: {  	_ =	shalt  }
0x4b: {  	_ =	shalt  }
0x4c: {  	_ =	shalt  }
0x4d: {  	_ =	shalt  }
0x4e: {  	_ =	shalt  }
0x4f: {  	_ =	shalt  }
0x50: {  	_ =	shalt  }
0x51: {  	_ =	shalt  }
0x52: {  	_ =	shalt  }
0x53: {  	_ =	shalt  }
0x54: {  	_ =	shalt  }
0x55: {  	_ =	shalt  }
0x56: {  	_ =	shalt  }
0x57: {  	_ =	shalt  }
0x58: {  	_ =	shalt  }
0x59: {  	_ =	shalt  }
0x5a: {  	_ =	shalt  }
0x5b: {  	_ =	shalt  }
0x5c: {  	_ =	shalt  }
0x5d: {  	_ =	shalt  }
0x5e: {  	_ =	shalt  }
0x5f: {  	_ =	shalt  }
0x60: {  	_ =	shalt  }
0x61: {  	_ =	shalt  }
0x62: {  	_ =	shalt  }
0x63: {  	_ =	shalt  }
0x64: {  	_ =	shalt  }
0x65: {  	_ =	shalt  }
0x66: {  	_ =	shalt  }
0x67: {  	_ =	shalt  }
0x68: {  	_ =	shalt  }
0x69: {  	_ =	shalt  }
0x6a: {  	_ =	shalt  }
0x6b: {  	_ =	shalt  }
0x6c: {  	_ =	shalt  }
0x6d: {  	_ =	shalt  }
0x6e: {  	_ =	shalt  }
0x6f: {  	_ =	shalt  }
0x70: {  	_ =	shalt  }
0x71: {  	_ =	shalt  }
0x72: {  	_ =	shalt  }
0x73: {  	_ =	shalt  }
0x74: {  	_ =	shalt  }
0x75: {  	_ =	shalt  }
0x76: {  	_ =	shalt  }
0x77: {  	_ =	shalt  }
0x78: {  	_ =	shalt  }
0x79: {  	_ =	shalt  }
0x7a: {  	_ =	shalt  }
0x7b: {  	_ =	shalt  }
0x7c: {  	_ =	shalt  }
0x7d: {  	_ =	shalt  }
0x7e: {  	_ =	shalt  }
0x7f: {  	_ =	shalt  }
0x80: {  	_ =	shalt  }
0x81: {  	_ =	shalt  }
0x82: {  	_ =	shalt  }
0x83: {  	_ =	shalt  }
0x84: {  	_ =	shalt  }
0x85: {  	_ =	shalt  }
0x86: {  	_ =	shalt  }
0x87: {  	_ =	shalt  }
.Lfunc_end0:
.L_simem_size_0:
called_computation_lowered:
.L_overlay_start_0:
0x88: {  	s2 =	sld [smem:$0x3FD9]  }
0x89: {  	s3 =	sld [smem:$0x3FFE];
	_ =	sdelay $0x1  }
0x8a: {  	s1 =	srdreg.scid  }
0x8b: {  	s0 =	sand.u32 $0x1, s1  }
0x8c: {  	s18 =	sshll.u32 s0, $0xA;
	s2 =	sadd.s32 s3, s2  }
0x8d: {  	s2 =	sadd.s32 s2, s18  }
0x8e: {  	[smem:$0x3FC4] =	sst s2  }
0x8f: {  	_ = 	snop  }
0x90: {  	s2 =	sld [smem:$0x3FC9]  }
0x91: {  	s19 =	sld [smem:$0x3FC8]  }
0x92: {  	s4 =	sld [smem:$0x3FC7]  }
0x93: {  	s5 =	sld [smem:$0x3FC6]  }
0x94: {  	s6 =	sld [smem:$0x3FD0];
	(tm) =	ssettm $0x1  }
0x95: {  	s7 =	sld [smem:$0x3FFB];
	_ =	sdelay $0x3  }
0x96: {  	_ =	strace s7  }
0x97: {  	s7 =	sld [smem:$0x3FFC];
	_ =	sdelay $0x3  }
0x98: {  	_ =	strace s7  }
0x99: {  	s7 =	sld [smem:$0x3FFD];
	_ =	sdelay $0x3  }
0x9a: {  	_ =	strace s7  }
0x9b: {  	_ =	strace $0x8FFFFFFF  }
0x9c: {  	s20 =	sld [smem:$0x3FDB];
	_ =	sdelay $0x1  }
0x9d: {  	s8 =	simm.s32 $_scs_section_size  }
0x9e: {  	s9 =	simm.s32 $_size__tile_overlayer_lowered;
	s10 =	simm.s32 $_tile_overlayer_lowered  }
0x9f: {  	s23 =	simm.s32 $0x1BFF;
	s22 =	sshll.u32 s10, $0x1;
	s7 =	sadd.s32 s8, s20  }
0xa0: {  	s11 =	simm.s32 $0x0;
	s21 =	sshll.u32 s9, $0x1;
	s9 =	sadd.s32 s22, s7  }
0xa1: {  	[timem:s11], [sflag:s23] =	dma.local [hbm:s9], s21  }
0xa2: {  	_ =	swait.ge [sflag:s23], s21  }
0xa3: {  	s8 =	ssub.s32 $0x0, s21;
	[sflag:s23] =	ssyncset.done $0x0  }
0xa4: {  	[sflag:s23] =	ssyncadd.s32 s8;
	_ =	sdelay $0x1  }
0xa5: {  	s24 =	simm.s32 $0x1B8B  }
0xa6: {  	_ =	swait.ge [sflag:s24], $0x1  }
0xa7: {  	[sflag:s24] =	ssyncset.done $0x0  }
0xa8: {  	s25 =	simm.s32 $0x1B8E;
	[sflag:s24] =	ssyncadd.s32 $0xFFFFFFFF  }
0xa9: {  	s26 =	simm.s32 $execute0_lowered;
	[smem:$0x3FD2] =	sst s25  }
0xaa: {  	s8 =	sshll.u32 s26, $0x1;
	_ =	strace $0x80000046;
	[dreg:$0x1] =	wrdreg $0xFFFFFFFF  }
0xab: {  	s28 =	simm.s32 $_size_execute0_lowered;
	s7 =	sadd.s32 s7, s8;
	[dreg:$0x0] =	wrdreg $0x0  }
0xac: {  	s8 =	sshll.u32 s28, $0x1;
	[dreg:$0x2] =	wrdreg s7  }
0xad: {  	[dreg:$0x3] =	wrdreg s8  }
0xae: {  	[dreg:$0x4] =	wrdreg $0xC0  }
0xaf: {  	_ =	task [dreg:s11], $0x5FFFF  }
0xb0: {  	[dreg:$0x1] =	wrdreg $0xFFFFFFFF  }
0xb1: {  	[dreg:$0x0] =	wrdreg $0x60  }
0xb2: {  	[dreg:$0x2] =	wrdreg s2  }
0xb3: {  	[dreg:$0x3] =	wrdreg s19  }
0xb4: {  	[dreg:$0x4] =	wrdreg s4  }
0xb5: {  	[dreg:$0x5] =	wrdreg s5  }
0xb6: {  	[dreg:$0x6] =	wrdreg s6  }
0xb7: {  	[dreg:$0x7] =	wrdreg $0x9  }
0xb8: {  	_ =	task.clear_ibuf [dreg:s11], $0x8FFFF;
	_ =	strace $0x90000046  }
0xb9: {  	s29 =	simm.s32 $0x9;
	_ =	strace $0x80000048  }
0xba: {  	_ =	swait.ge [sflag:s29], $0x1  }
0xbb: {  	[sflag:s29] =	ssyncadd.s32 $0xFFFFFFFF  }
0xbc: {  	_ =	strace $0x90000048  }
0xbd: {  	_ =	sfence  }
0xbe: {  	s30 =	sld [smem:$0x0];
	_ =	sdelay $0x2  }
0xbf: {  	s31 =	sshll.u32 s1, $0xD;
	s1 =	sshrl.u32 s1, $0x2  }
0xc0: {  	s3 =	sand.u32 $0x4000, s31;
	s1 =	sadd.s32 s1, s30  }
0xc1: {  	s0 =	sor.u32 s3, s0;
	s1 =	sshll.u32 s1, $0x11  }
0xc2: {  	s0 =	sor.u32 s1, s0  }
0xc3: {  	s0 =	sadd.s32 $0x8F2B, s0  }
0xc4: {  	[sflag:s0] =	ssyncadd.remote.s32 $0x1  }
0xc5: {  	_ =	sfence.sel $0xFFFF  }
0xc6: {  	[dreg:$0x0] =	wrdreg $0xFFFFFFFF;
	(pc) =	sbr.abs _section_cstart, $3  }
0xc7: {  	[dreg:$0x1] =	wrdreg $0xFFFFFFFF  }
0xc8: {  	_ =	task.clear_ibuf [dreg:s11], $0x2FFFF;
	_ =	strace $0x9FFFFFFF  }
0xc9: {  	(tm) =	ssettm $0x7FFFFFFF  }
tec
execute0_lowered:
.L_overlay_start_1:
0x0: {  	(tag) =	ssettag $0x1  }
0x1: {  	s30 =	rddreg [dreg:$0x0]  }
0x2: {  	s31 =	rddreg [dreg:$0x1]  }
0x3: {  	s0 =	rddreg [dreg:$0x2]  }
0x4: {  	s1 =	rddreg [dreg:$0x3];
	s3 =	srdreg.scid  }
0x5: {  	s2 =	stileid.u32;
	s4 =	rddreg [dreg:$0x4]  }
0x6: {  	s11 =	simm.s32 $0x50;
	s3 =	sand.u32 $0x1, s3;
	s5 =	sshll.u32 s2, $0x1  }
0x7: {  	s12 =	simm.s32 $0x7680;
	s13 =	simm.s32 $0x9E80;
	s5 =	sor.u32 s3, s5  }
0x8: {  	s14 =	simm.s32 $0xC680;
	s2 =	simm.s32 $0x0;
	s5 =	smul.u32 $0x4E2, s5  }
0x9: {  	s15 =	simm.s32 $0xEE80;
	s16 =	simm.s32 $0x1;
	[smem:$0x7FF] =	sst s2  }
0xa: {  	s3 =	ssub.s32 $0x2, s3;
	_ =	strace $0x80000047;
	s0 =	sadd.s32 s0, s5  }
0xb: {  	s6 =	sshrl.u32 s3, $0x1;
	s26 =	sadd.s32 s1, s5;
	[dreg:$0x6] =	wrdreg s0  }
0xc: {  	s3 =	ssub.s32 s3, s6;
	s28 =	sadd.s32 s4, s5;
	[dreg:$0x7] =	wrdreg s26  }
0xd: {  	s17 =	simm.s32 $0x2;
	v0 =	vlaneseq.u32;
	s29 =	smax.u32 s3, $0x1;
	[dreg:$0x8] =	wrdreg s28  }
0xe: {  	v1 =	vmul.u32 $0x80, v0;
	v2 =	vadd.s32 $0x1, v0;
	s1 =	simm.s32 $0x5;
	s3 =	simm.s32 $0x0;
	[dreg:$0x9] =	wrdreg s29  }
.LBB2_1:
0xf: {  	[dreg:$0xa] =	wrdreg s3  }
0x10: {  	s0 =	rddreg [dreg:$0x6]  }
0x11: {  	[tilespmem:s2], [sflag:$0x5] =	stream.linear.gather [hbm4b:s0+s2], $0x2710, $0x38;
	[tilespmem:$0x11680] =	vst v63  }
0x12: {  	_ =	swait.ge [sflag:s1], $0x2710  }
0x13: {  	[sflag:s1] =	ssyncset.done $0x0  }
0x14: {  	s29 =	simm.s32 $0x2780;
	s28 =	rddreg [dreg:$0x7];
	[sflag:s1] =	ssyncadd.s32 $0xFFFFD8F0  }
0x15: {  	[tilespmem:s29], [sflag:$0x5] =	stream.linear.gather [hbm4b:s28+s2], $0x2710, $0x38;
	[tilespmem:$0x11680] =	vst v63  }
0x16: {  	_ =	swait.ge [sflag:s1], $0x2710  }
0x17: {  	[sflag:s1] =	ssyncset.done $0x0  }
0x18: {  	[sflag:s1] =	ssyncadd.s32 $0xFFFFD8F0  }
0x19: {  	[tilespmem:s12], [sflag:$0x1] =	stream.indirect.gather [hbm4b:s30+s11], $0x80, s2, s11, $0xb8;
	[tilespmem:$0x11680] =	vst v63  }
0x1a: {  	s22 =	simm.s32 $0x0  }
0x1b: {  	[tilespmem:s13], [sflag:$0x2] =	stream.indirect.gather [hbm4b:s31+s11], $0x80, s29, s11, $0xb8;
	[tilespmem:$0x11680] =	vst v63  }
.LBB2_2:
0x1c: {  	s24 =	smul.u32 $0xA0, s22;
	_ =	sdelay $0x1  }
0x1d: {  	s23 =	sadd.s32 $0x50, s24  }
0x1e: {  	[tilespmem:s14], [sflag:$0x3] =	stream.indirect.gather [hbm4b:s30+s11], $0x80, s23, s11, $0xb8;
	[tilespmem:$0x11680] =	vst v63  }
0x1f: {  	s0 =	sadd.s32 $0x27D0, s24  }
0x20: {  	[tilespmem:s15], [sflag:$0x4] =	stream.indirect.gather [hbm4b:s31+s11], $0x80, s0, s11, $0xb8;
	[tilespmem:$0x11680] =	vst v63  }
0x21: {  	_ =	swait.ge [sflag:s16], $0x2800  }
0x22: {  	s19 =	smov.u32 s31;
	s31 =	smul.u32 $0x280, s22;
	[sflag:s16] =	ssyncset.done $0x0  }
0x23: {  	[sflag:s16] =	ssyncadd.s32 $0xFFFFD800  }
0x24: {  	s0 =	sshra.s32 s31, $0x2;
	_ =	swait.ge [sflag:s17], $0x2800  }
0x25: {  	s18 =	smov.u32 s30;
	s0 =	sadd.s32 $0x4F00, s0;
	[sflag:s17] =	ssyncset.done $0x0  }
0x26: {  	s25 =	simm.s32 $0x0;
	s26 =	simm.s32 $0x0;
	v3 =	vmov s0;
	[sflag:s17] =	ssyncadd.s32 $0xFFFFD800  }
.LBB2_3:
0x27: {  	s28 =	sshll.u32 s26, $0x4  }
0x28: {  	v4 =	vmov s28  }
0x29: {  	v4 =	vshll.u32 v4, $0x7  }
0x2a: {  	v4 =	vor.u32 v1, v4  }
0x2b: {  	v9 =	vor.u32 v0, v4  }
0x2c: {  	v5 =	vor.u32 s25, v9  }
0x2d: {  	v11 =	vor.u32 v2, v4  }
0x2e: {  	v6 =	vor.u32 s25, v11  }
0x2f: {  	s29 =	simm.s32 $0x10  }
0x30: {  	v8 =	vor.u32 s29, v9  }
0x31: {  	s31 =	simm.s32 $0xE;
	v23 =	vld.idx.msk [tilespmem:v5+s12+$0x0], $0xffff  }
0x32: {  	v10 =	vadd.s32 s31, v9;
	v24 =	vld.idx.msk [tilespmem:v5+s13+$0x0], $0xffff  }
0x33: {  	s20 =	simm.s32 $0x8;
	v26 =	vld.idx.msk [tilespmem:v6+s12+$0x0], $0xffff  }
0x34: {  	v12 =	vadd.s32 s20, v9;
	v28 =	vld.idx.msk [tilespmem:v6+s13+$0x0], $0xffff  }
0x35: {  	s3 =	simm.s32 $0xC;
	v7 =	vld.idx.msk [tilespmem:v8+s12+$0x0], $0xffff  }
0x36: {  	v5 =	vadd.s32 s3, v9;
	v8 =	vld.idx.msk [tilespmem:v8+s13+$0x0], $0xffff  }
0x37: {  	s1 =	simm.s32 $0xA;
	v13 =	vld.idx.msk [tilespmem:v10+s12+$0x0], $0xffff  }
0x38: {  	v6 =	vadd.s32 s1, v9;
	v14 =	vld.idx.msk [tilespmem:v10+s13+$0x0], $0xffff  }
0x39: {  	s10 =	simm.s32 $0x6;
	v25 =	vld.idx.msk [tilespmem:v12+s12+$0x0], $0xffff  }
0x3a: {  	v10 =	vadd.s32 s10, v9;
	v27 =	vld.idx.msk [tilespmem:v12+s13+$0x0], $0xffff  }
0x3b: {  	s7 =	simm.s32 $0x4;
	v17 =	vld.idx.msk [tilespmem:v5+s12+$0x0], $0xffff  }
0x3c: {  	v18 =	vld.idx.msk [tilespmem:v5+s13+$0x0], $0xffff;
	v5 =	vadd.s32 s7, v9  }
0x3d: {  	s30 =	simm.s32 $0x2;
	s5 =	simm.s32 $0x1E;
	v21 =	vld.idx.msk [tilespmem:v6+s12+$0x0], $0xffff  }
0x3e: {  	v12 =	vadd.s32 s5, v0;
	v22 =	vld.idx.msk [tilespmem:v6+s13+$0x0], $0xffff;
	v6 =	vadd.s32 s30, v9  }
0x3f: {  	s6 =	simm.s32 $0x1C;
	v12 =	vand.u32 $0x7F, v12;
	v29 =	vld.idx.msk [tilespmem:v10+s12+$0x0], $0xffff  }
0x40: {  	v12 =	vor.u32 v4, v12;
	v30 =	vld.idx.msk [tilespmem:v10+s13+$0x0], $0xffff;
	v10 =	vadd.s32 s6, v0  }
0x41: {  	s8 =	simm.s32 $0x1A;
	v10 =	vand.u32 $0x7F, v10;
	v32 =	vld.idx.msk [tilespmem:v5+s12+$0x0], $0xffff  }
0x42: {  	v15 =	vor.u32 v4, v10;
	v33 =	vld.idx.msk [tilespmem:v5+s13+$0x0], $0xffff;
	v5 =	vadd.s32 s8, v0  }
0x43: {  	s4 =	simm.s32 $0x18;
	v35 =	vld.idx.msk [tilespmem:v6+s12+$0x0], $0xffff;
	v5 =	vand.u32 $0x7F, v5  }
0x44: {  	v36 =	vld.idx.msk [tilespmem:v6+s13+$0x0], $0xffff;
	v6 =	vadd.s32 s4, v0;
	v16 =	vor.u32 v4, v5  }
0x45: {  	s9 =	simm.s32 $0x16;
	v6 =	vand.u32 $0x7F, v6;
	v5 =	vld.idx.msk [tilespmem:v12+s12+$0x0], $0xffff  }
0x46: {  	v19 =	vadd.s32 s9, v0;
	v20 =	vor.u32 v4, v6;
	v6 =	vld.idx.msk [tilespmem:v12+s13+$0x0], $0xffff  }
0x47: {  	s21 =	simm.s32 $0x14;
	v19 =	vand.u32 $0x7F, v19;
	v10 =	vld.idx.msk [tilespmem:v15+s12+$0x0], $0xffff  }
0x48: {  	v34 =	vadd.s32 s21, v0;
	v38 =	vor.u32 v4, v19;
	v12 =	vld.idx.msk [tilespmem:v15+s13+$0x0], $0xffff  }
0x49: {  	s0 =	simm.s32 $0x12;
	v34 =	vand.u32 $0x7F, v34;
	v15 =	vld.idx.msk [tilespmem:v16+s12+$0x0], $0xffff  }
0x4a: {  	v37 =	vadd.s32 s0, v0;
	v40 =	vor.u32 v4, v34;
	v16 =	vld.idx.msk [tilespmem:v16+s13+$0x0], $0xffff  }
0x4b: {  	v31 =	vimm.f32 $0.0e+00;
	v63 =	vand.u32 $0x7F, v37;
	v19 =	vld.idx.msk [tilespmem:v20+s12+$0x0], $0xffff  }
0x4c: {  	v37 =	vadd.s32 s30, v2;
	v41 =	vor.u32 v4, v63;
	v34 =	vimm.f32 $0.0e+00;
	s30 =	simm.s32 $0x20;
	v20 =	vld.idx.msk [tilespmem:v20+s13+$0x0], $0xffff  }
.LBB2_4:
0x4d: {  	p0 =	slt.u32 s30, $0x60;
	v39 =	vand.u32 $0x7F, v37;
	v37 =	vld.idx.msk [tilespmem:v38+s12+$0x0], $0xffff  }
0x4e: {  	v42 =	vor.u32 v4, v39;
	v39 =	vadd.s32 s7, v2;
	v38 =	vld.idx.msk [tilespmem:v38+s13+$0x0], $0xffff  }
0x4f: {  	v43 =	vand.u32 $0x7F, v39;
	v39 =	vld.idx.msk [tilespmem:v40+s12+$0x0], $0xffff  }
0x50: {  	v44 =	vadd.s32 s10, v2;
	v43 =	vor.u32 v4, v43;
	v40 =	vld.idx.msk [tilespmem:v40+s13+$0x0], $0xffff  }
0x51: {  	v46 =	vadd.s32 s5, v2;
	v44 =	vand.u32 $0x7F, v44;
	v45 =	vld.idx.msk [tilespmem:v41+s12+$0x0], $0xffff  }
0x52: {  	v47 =	vadd.s32 s20, v2;
	v48 =	vadd.s32 s6, v2;
	v44 =	vor.u32 v4, v44;
	v41 =	vld.idx.msk [tilespmem:v41+s13+$0x0], $0xffff  }
0x53: {  	v50 =	vadd.s32 s4, v2;
	v51 =	vadd.s32 s8, v2;
	v47 =	vand.u32 $0x7F, v47;
	v49 =	vld.idx.msk [tilespmem:v42+s12+$0x0], $0xffff  }
0x54: {  	v52 =	vadd.s32 s1, v2;
	v53 =	vadd.s32 s9, v2;
	v47 =	vor.u32 v4, v47;
	v42 =	vld.idx.msk [tilespmem:v42+s13+$0x0], $0xffff  }
0x55: {  	v55 =	vadd.s32 s0, v2;
	v56 =	vadd.s32 s21, v2;
	v52 =	vand.u32 $0x7F, v52;
	v54 =	vld.idx.msk [tilespmem:v43+s12+$0x0], $0xffff  }
0x56: {  	v57 =	vadd.s32 s3, v2;
	v58 =	vadd.s32 s31, v2;
	v52 =	vor.u32 v4, v52;
	v43 =	vld.idx.msk [tilespmem:v43+s13+$0x0], $0xffff  }
0x57: {  	v60 =	vadd.s32 s29, v2;
	v57 =	vand.u32 $0x7F, v57;
	v58 =	vand.u32 $0x7F, v58;
	v59 =	vld.idx.msk [tilespmem:v44+s12+$0x0], $0xffff  }
0x58: {  	v23 =	vmul.f32 v24, v23;
	v24 =	vmul.f32 v28, v26;
	v28 =	vor.u32 v4, v57;
	v26 =	vld.idx.msk [tilespmem:v44+s13+$0x0], $0xffff  }
0x59: {  	v35 =	vmul.f32 v36, v35;
	v57 =	vand.u32 $0x7F, v60;
	v44 =	vor.u32 v4, v58;
	v36 =	vld.idx.msk [tilespmem:v47+s12+$0x0], $0xffff  }
0x5a: {  	v23 =	vadd.f32 v23, v31;
	v24 =	vadd.f32 v24, v34;
	v31 =	vmul.f32 v42, v49;
	v34 =	vld.idx.msk [tilespmem:v47+s13+$0x0], $0xffff  }
0x5b: {  	v32 =	vmul.f32 v33, v32;
	v42 =	vor.u32 v4, v57;
	v47 =	vand.u32 $0x7F, v55;
	v33 =	vld.idx.msk [tilespmem:v52+s12+$0x0], $0xffff  }
0x5c: {  	v23 =	vadd.f32 v35, v23;
	v24 =	vadd.f32 v31, v24;
	v31 =	vmul.f32 v43, v54;
	v35 =	vld.idx.msk [tilespmem:v52+s13+$0x0], $0xffff  }
0x5d: {  	v29 =	vmul.f32 v30, v29;
	v43 =	vor.u32 v4, v47;
	v47 =	vand.u32 $0x7F, v56;
	v30 =	vld.idx.msk [tilespmem:v28+s12+$0x0], $0xffff  }
0x5e: {  	v23 =	vadd.f32 v32, v23;
	v24 =	vadd.f32 v31, v24;
	v26 =	vmul.f32 v26, v59;
	v28 =	vld.idx.msk [tilespmem:v28+s13+$0x0], $0xffff  }
0x5f: {  	v25 =	vmul.f32 v27, v25;
	v32 =	vand.u32 $0x7F, v53;
	v31 =	vor.u32 v4, v47;
	v27 =	vld.idx.msk [tilespmem:v44+s12+$0x0], $0xffff  }
0x60: {  	v23 =	vadd.f32 v29, v23;
	v24 =	vadd.f32 v26, v24;
	v26 =	vmul.f32 v34, v36;
	v29 =	vld.idx.msk [tilespmem:v44+s13+$0x0], $0xffff  }
0x61: {  	v21 =	vmul.f32 v22, v21;
	v32 =	vor.u32 v4, v32;
	v34 =	vand.u32 $0x7F, v50;
	v22 =	vld.idx.msk [tilespmem:v42+s12+$0x0], $0xffff  }
0x62: {  	v23 =	vadd.f32 v25, v23;
	v24 =	vadd.f32 v26, v24;
	v25 =	vmul.f32 v35, v33;
	v26 =	vld.idx.msk [tilespmem:v42+s13+$0x0], $0xffff  }
0x63: {  	v17 =	vmul.f32 v18, v17;
	v33 =	vor.u32 v4, v34;
	v34 =	vand.u32 $0x7F, v51;
	v18 =	vld.idx.msk [tilespmem:v43+s12+$0x0], $0xffff  }
0x64: {  	v21 =	vadd.f32 v21, v23;
	v23 =	vadd.f32 v25, v24;
	v24 =	vmul.f32 v28, v30;
	v25 =	vld.idx.msk [tilespmem:v43+s13+$0x0], $0xffff  }
0x65: {  	v13 =	vmul.f32 v14, v13;
	v28 =	vor.u32 v4, v34;
	v30 =	vand.u32 $0x7F, v48;
	v14 =	vld.idx.msk [tilespmem:v31+s12+$0x0], $0xffff  }
0x66: {  	v17 =	vadd.f32 v17, v21;
	v21 =	vadd.f32 v24, v23;
	v23 =	vmul.f32 v29, v27;
	v24 =	vld.idx.msk [tilespmem:v31+s13+$0x0], $0xffff  }
0x67: {  	v7 =	vmul.f32 v8, v7;
	v27 =	vor.u32 v4, v30;
	v29 =	vand.u32 $0x7F, v46;
	v8 =	vld.idx.msk [tilespmem:v32+s12+$0x0], $0xffff  }
0x68: {  	v13 =	vadd.f32 v13, v17;
	v17 =	vadd.f32 v23, v21;
	v21 =	vmul.f32 v26, v22;
	v22 =	vld.idx.msk [tilespmem:v32+s13+$0x0], $0xffff  }
0x69: {  	v29 =	vor.u32 v4, v29;
	v23 =	vmul.f32 v41, v45;
	v26 =	vld.idx.msk [tilespmem:v33+s12+$0x0], $0xffff  }
0x6a: {  	v7 =	vadd.f32 v7, v13;
	v13 =	vadd.f32 v21, v17;
	v17 =	vmul.f32 v25, v18;
	v18 =	vld.idx.msk [tilespmem:v33+s13+$0x0], $0xffff  }
0x6b: {  	v21 =	vor.u32 s30, v9;
	v25 =	vmul.f32 v40, v39;
	v30 =	vld.idx.msk [tilespmem:v28+s12+$0x0], $0xffff  }
0x6c: {  	v7 =	vadd.f32 v23, v7;
	v13 =	vadd.f32 v17, v13;
	v14 =	vmul.f32 v24, v14;
	v17 =	vld.idx.msk [tilespmem:v28+s13+$0x0], $0xffff  }
0x6d: {  	v23 =	vmul.f32 v38, v37;
	v28 =	vor.u32 s30, v11;
	v31 =	vld.idx.msk [tilespmem:v27+s12+$0x0], $0xffff  }
0x6e: {  	s29 =	sadd.s32 $0x10, s30;
	v7 =	vadd.f32 v25, v7;
	v13 =	vadd.f32 v14, v13;
	v8 =	vmul.f32 v22, v8;
	v14 =	vld.idx.msk [tilespmem:v27+s13+$0x0], $0xffff  }
0x6f: {  	v19 =	vmul.f32 v20, v19;
	v22 =	vor.u32 s29, v9;
	v20 =	vld.idx.msk [tilespmem:v29+s12+$0x0], $0xffff  }
0x70: {  	s31 =	sadd.s32 $0xE, s30;
	v7 =	vadd.f32 v23, v7;
	v8 =	vadd.f32 v8, v13;
	v13 =	vmul.f32 v18, v26;
	v18 =	vld.idx.msk [tilespmem:v29+s13+$0x0], $0xffff  }
0x71: {  	v15 =	vmul.f32 v16, v15;
	v25 =	vadd.s32 s31, v9;
	v23 =	vld.idx.msk [tilespmem:v21+s12+$0x0], $0xffff  }
0x72: {  	s3 =	sadd.s32 $0xC, s30;
	v7 =	vadd.f32 v19, v7;
	v8 =	vadd.f32 v13, v8;
	v13 =	vmul.f32 v17, v30;
	v24 =	vld.idx.msk [tilespmem:v21+s13+$0x0], $0xffff  }
0x73: {  	v10 =	vmul.f32 v12, v10;
	v16 =	vadd.s32 s3, v9;
	v26 =	vld.idx.msk [tilespmem:v28+s12+$0x0], $0xffff  }
0x74: {  	s1 =	sadd.s32 $0xA, s30;
	v12 =	vadd.f32 v15, v7;
	v13 =	vadd.f32 v13, v8;
	v14 =	vmul.f32 v14, v31;
	v28 =	vld.idx.msk [tilespmem:v28+s13+$0x0], $0xffff  }
0x75: {  	v5 =	vmul.f32 v6, v5;
	v15 =	vadd.s32 s1, v9;
	v7 =	vld.idx.msk [tilespmem:v22+s12+$0x0], $0xffff  }
0x76: {  	v6 =	vadd.f32 v10, v12;
	v10 =	vadd.f32 v14, v13;
	v12 =	vmul.f32 v18, v20;
	v8 =	vld.idx.msk [tilespmem:v22+s13+$0x0], $0xffff  }
0x77: {  	s20 =	sadd.s32 $0x8, s30;
	v13 =	vld.idx.msk [tilespmem:v25+s12+$0x0], $0xffff  }
0x78: {  	v19 =	vadd.s32 s20, v9;
	v31 =	vadd.f32 v5, v6;
	v34 =	vadd.f32 v12, v10;
	v14 =	vld.idx.msk [tilespmem:v25+s13+$0x0], $0xffff  }
0x79: {  	s10 =	sadd.s32 $0x6, s30;
	v17 =	vld.idx.msk [tilespmem:v16+s12+$0x0], $0xffff  }
0x7a: {  	v5 =	vadd.s32 s10, v9;
	v18 =	vld.idx.msk [tilespmem:v16+s13+$0x0], $0xffff  }
0x7b: {  	s7 =	sadd.s32 $0x4, s30;
	v21 =	vld.idx.msk [tilespmem:v15+s12+$0x0], $0xffff  }
0x7c: {  	v6 =	vadd.s32 s7, v9;
	v22 =	vld.idx.msk [tilespmem:v15+s13+$0x0], $0xffff  }
0x7d: {  	s2 =	sadd.s32 $0x2, s30;
	s5 =	sadd.s32 $0x1E, s30;
	v25 =	vld.idx.msk [tilespmem:v19+s12+$0x0], $0xffff  }
0x7e: {  	v10 =	vadd.s32 s2, v9;
	v12 =	vadd.s32 s5, v0;
	v27 =	vld.idx.msk [tilespmem:v19+s13+$0x0], $0xffff  }
0x7f: {  	s6 =	sadd.s32 $0x1C, s30;
	v12 =	vand.u32 $0x7F, v12;
	v29 =	vld.idx.msk [tilespmem:v5+s12+$0x0], $0xffff  }
0x80: {  	v12 =	vor.u32 v4, v12;
	v30 =	vld.idx.msk [tilespmem:v5+s13+$0x0], $0xffff;
	v5 =	vadd.s32 s6, v0  }
0x81: {  	s8 =	sadd.s32 $0x1A, s30;
	v32 =	vld.idx.msk [tilespmem:v6+s12+$0x0], $0xffff;
	v5 =	vand.u32 $0x7F, v5  }
0x82: {  	v33 =	vld.idx.msk [tilespmem:v6+s13+$0x0], $0xffff;
	v6 =	vadd.s32 s8, v0;
	v15 =	vor.u32 v4, v5  }
0x83: {  	s4 =	sadd.s32 $0x18, s30;
	v35 =	vld.idx.msk [tilespmem:v10+s12+$0x0], $0xffff;
	v5 =	vand.u32 $0x7F, v6  }
0x84: {  	v6 =	vadd.s32 s4, v0;
	v36 =	vld.idx.msk [tilespmem:v10+s13+$0x0], $0xffff;
	v16 =	vor.u32 v4, v5  }
0x85: {  	s9 =	sadd.s32 $0x16, s30;
	v6 =	vand.u32 $0x7F, v6;
	v5 =	vld.idx.msk [tilespmem:v12+s12+$0x0], $0xffff  }
0x86: {  	v10 =	vadd.s32 s9, v0;
	v20 =	vor.u32 v4, v6;
	v6 =	vld.idx.msk [tilespmem:v12+s13+$0x0], $0xffff  }
0x87: {  	s21 =	sadd.s32 $0x14, s30;
	v12 =	vand.u32 $0x7F, v10;
	v10 =	vld.idx.msk [tilespmem:v15+s12+$0x0], $0xffff  }
.Ltmp0:
0x88: {  	v19 =	vadd.s32 s21, v0;
	v38 =	vor.u32 v4, v12;
	v12 =	vld.idx.msk [tilespmem:v15+s13+$0x0], $0xffff;
	(pc) =	sbr.rel @p0 .LBB2_4-.Ltmp0, $4  }
0x89: {  	s0 =	sadd.s32 $0x12, s30;
	v19 =	vand.u32 $0x7F, v19;
	v15 =	vld.idx.msk [tilespmem:v16+s12+$0x0], $0xffff  }
0x8a: {  	v37 =	vadd.s32 s0, v0;
	v40 =	vor.u32 v4, v19;
	v16 =	vld.idx.msk [tilespmem:v16+s13+$0x0], $0xffff  }
0x8b: {  	v39 =	vand.u32 $0x7F, v37;
	v19 =	vld.idx.msk [tilespmem:v20+s12+$0x0], $0xffff  }
0x8c: {  	v37 =	vadd.s32 s2, v2;
	v41 =	vor.u32 v4, v39;
	s30 =	sadd.s32 $0x20, s30;
	v20 =	vld.idx.msk [tilespmem:v20+s13+$0x0], $0xffff  }
0x8d: {  	_ =	sdelay $0x3  }
0x8e: {  	v9 =	vand.u32 $0x7F, v37;
	v11 =	vld.idx.msk [tilespmem:v38+s12+$0x0], $0xffff  }
0x8f: {  	v60 =	vadd.s32 s7, v2;
	v38 =	vld.idx.msk [tilespmem:v38+s13+$0x0], $0xffff;
	v9 =	vor.u32 v4, v9  }
0x90: {  	v39 =	vld.idx.msk [tilespmem:v40+s12+$0x0], $0xffff;
	v37 =	vand.u32 $0x7F, v60  }
0x91: {  	v42 =	vadd.s32 s10, v2;
	v40 =	vld.idx.msk [tilespmem:v40+s13+$0x0], $0xffff;
	v37 =	vor.u32 v4, v37  }
0x92: {  	v43 =	vld.idx.msk [tilespmem:v41+s12+$0x0], $0xffff;
	v44 =	vadd.s32 s5, v2;
	v45 =	vadd.s32 s20, v2;
	v42 =	vand.u32 $0x7F, v42  }
0x93: {  	v41 =	vld.idx.msk [tilespmem:v41+s13+$0x0], $0xffff;
	v46 =	vadd.s32 s6, v2;
	v48 =	vadd.s32 s4, v2;
	v42 =	vor.u32 v4, v42  }
0x94: {  	v49 =	vadd.s32 s8, v2;
	v50 =	vadd.s32 s1, v2;
	v45 =	vand.u32 $0x7F, v45;
	v47 =	vld.idx.msk [tilespmem:v9+s12+$0x0], $0xffff  }
0x95: {  	v51 =	vadd.s32 s9, v2;
	v53 =	vadd.s32 s0, v2;
	v45 =	vor.u32 v4, v45;
	v9 =	vld.idx.msk [tilespmem:v9+s13+$0x0], $0xffff  }
0x96: {  	v54 =	vadd.s32 s21, v2;
	v55 =	vadd.s32 s3, v2;
	v50 =	vand.u32 $0x7F, v50;
	v52 =	vld.idx.msk [tilespmem:v37+s12+$0x0], $0xffff  }
0x97: {  	v56 =	vadd.s32 s31, v2;
	v23 =	vmul.f32 v24, v23;
	v50 =	vor.u32 v4, v50;
	v37 =	vld.idx.msk [tilespmem:v37+s13+$0x0], $0xffff  }
0x98: {  	v61 =	vmul.f32 v28, v26;
	v62 =	vadd.s32 s29, v2;
	v55 =	vand.u32 $0x7F, v55;
	v57 =	vld.idx.msk [tilespmem:v42+s12+$0x0], $0xffff  }
0x99: {  	v35 =	vmul.f32 v36, v35;
	v23 =	vadd.f32 v23, v31;
	v63 =	vld.idx.msk [tilespmem:v42+s13+$0x0], $0xffff;
	v42 =	vor.u32 v4, v55  }
0x9a: {  	v56 =	vand.u32 $0x7F, v56;
	v24 =	vadd.f32 v61, v34;
	v55 =	vld.idx.msk [tilespmem:v45+s12+$0x0], $0xffff;
	v9 =	vmul.f32 v9, v47  }
0x9b: {  	v32 =	vmul.f32 v33, v32;
	v31 =	vor.u32 v4, v56;
	v23 =	vadd.f32 v35, v23;
	v56 =	vld.idx.msk [tilespmem:v45+s13+$0x0], $0xffff  }
0x9c: {  	v26 =	vand.u32 $0x7F, v62;
	v58 =	vld.idx.msk [tilespmem:v50+s12+$0x0], $0xffff;
	v59 =	vmul.f32 v37, v52;
	v9 =	vadd.f32 v9, v24  }
0x9d: {  	v29 =	vmul.f32 v30, v29;
	v26 =	vor.u32 v4, v26;
	v23 =	vadd.f32 v32, v23;
	v61 =	vld.idx.msk [tilespmem:v50+s13+$0x0], $0xffff  }
0x9e: {  	v60 =	vand.u32 $0x7F, v53;
	v62 =	vld.idx.msk [tilespmem:v42+s12+$0x0], $0xffff;
	v63 =	vmul.f32 v63, v57;
	v9 =	vadd.f32 v59, v9  }
0x9f: {  	v25 =	vmul.f32 v27, v25;
	v45 =	vor.u32 v4, v60;
	v23 =	vadd.f32 v29, v23;
	v50 =	vld.idx.msk [tilespmem:v42+s13+$0x0], $0xffff  }
0xa0: {  	v47 =	vand.u32 $0x7F, v54;
	v52 =	vld.idx.msk [tilespmem:v31+s12+$0x0], $0xffff;
	v53 =	vmul.f32 v56, v55;
	v9 =	vadd.f32 v63, v9  }
0xa1: {  	v21 =	vmul.f32 v22, v21;
	v23 =	vadd.f32 v25, v23;
	v54 =	vor.u32 v4, v47;
	v31 =	vld.idx.msk [tilespmem:v31+s13+$0x0], $0xffff  }
0xa2: {  	v55 =	vand.u32 $0x7F, v51;
	v56 =	vld.idx.msk [tilespmem:v26+s12+$0x0], $0xffff;
	v57 =	vmul.f32 v61, v58;
	v9 =	vadd.f32 v53, v9  }
0xa3: {  	v17 =	vmul.f32 v18, v17;
	v26 =	vld.idx.msk [tilespmem:v26+s13+$0x0], $0xffff;
	v21 =	vadd.f32 v21, v23;
	v58 =	vor.u32 v4, v55  }
0xa4: {  	v60 =	vld.idx.msk [tilespmem:v45+s12+$0x0], $0xffff;
	v59 =	vand.u32 $0x7F, v48;
	v61 =	vmul.f32 v50, v62;
	v9 =	vadd.f32 v57, v9  }
0xa5: {  	v13 =	vmul.f32 v14, v13;
	v28 =	vld.idx.msk [tilespmem:v45+s13+$0x0], $0xffff;
	v17 =	vadd.f32 v17, v21;
	v62 =	vor.u32 v4, v59  }
0xa6: {  	v63 =	vand.u32 $0x7F, v49;
	v32 =	vld.idx.msk [tilespmem:v54+s12+$0x0], $0xffff;
	v33 =	vmul.f32 v31, v52;
	v9 =	vadd.f32 v61, v9  }
0xa7: {  	v7 =	vmul.f32 v8, v7;
	v35 =	vand.u32 $0x7F, v46;
	v29 =	vld.idx.msk [tilespmem:v54+s13+$0x0], $0xffff;
	v34 =	vor.u32 v4, v63  }
0xa8: {  	v13 =	vadd.f32 v13, v17;
	v37 =	vmul.f32 v26, v56;
	v36 =	vld.idx.msk [tilespmem:v58+s12+$0x0], $0xffff;
	v9 =	vadd.f32 v33, v9  }
0xa9: {  	v46 =	vmul.f32 v41, v43;
	v42 =	vor.u32 v4, v35;
	v45 =	vand.u32 $0x7F, v44;
	v25 =	vld.idx.msk [tilespmem:v58+s13+$0x0], $0xffff  }
0xaa: {  	v48 =	vmul.f32 v28, v60;
	v7 =	vadd.f32 v7, v13;
	v47 =	vld.idx.msk [tilespmem:v62+s12+$0x0], $0xffff;
	v9 =	vadd.f32 v37, v9  }
0xab: {  	v50 =	vmul.f32 v40, v39;
	v4 =	vor.u32 v4, v45;
	v49 =	vld.idx.msk [tilespmem:v62+s13+$0x0], $0xffff  }
0xac: {  	v7 =	vadd.f32 v46, v7;
	v52 =	vmul.f32 v29, v32;
	v51 =	vld.idx.msk [tilespmem:v34+s12+$0x0], $0xffff;
	v9 =	vadd.f32 v48, v9  }
0xad: {  	v11 =	vmul.f32 v38, v11;
	v53 =	vld.idx.msk [tilespmem:v34+s13+$0x0], $0xffff  }
0xae: {  	v54 =	vld.idx.msk [tilespmem:v42+s12+$0x0], $0xffff;
	v7 =	vadd.f32 v50, v7;
	v8 =	vmul.f32 v25, v36;
	v9 =	vadd.f32 v52, v9  }
0xaf: {  	v55 =	vld.idx.msk [tilespmem:v42+s13+$0x0], $0xffff;
	v56 =	vmul.f32 v20, v19  }
0xb0: {  	v57 =	vld.idx.msk [tilespmem:v4+s12+$0x0], $0xffff;
	v7 =	vadd.f32 v11, v7;
	v58 =	vmul.f32 v49, v47;
	v8 =	vadd.f32 v8, v9  }
0xb1: {  	v59 =	vmul.f32 v16, v15;
	v4 =	vld.idx.msk [tilespmem:v4+s13+$0x0], $0xffff  }
0xb2: {  	v7 =	vadd.f32 v56, v7;
	v60 =	vmul.f32 v53, v51;
	v8 =	vadd.f32 v58, v8  }
0xb3: {  	v10 =	vmul.f32 v12, v10  }
0xb4: {  	v61 =	vmul.f32 v55, v54;
	v7 =	vadd.f32 v59, v7;
	v8 =	vadd.f32 v60, v8  }
0xb5: {  	v5 =	vmul.f32 v6, v5  }
0xb6: {  	s26 =	sadd.s32 $0x1, s26;
	v4 =	vmul.f32 v4, v57;
	v62 =	vadd.f32 v10, v7;
	v63 =	vadd.f32 v61, v8  }
0xb7: {  	p0 =	sne.s32 s26, $0x5  }
.Ltmp1:
0xb8: {  	v5 =	vadd.f32 v5, v62;
	v4 =	vadd.f32 v4, v63;
	(pc) =	sbr.rel @p0 .LBB2_3-.Ltmp1, $3  }
0xb9: {  	_ = 	snop  }
0xba: {  	v4 =	vadd.f32 v4, v5;
	_ =	sdelay $0x1  }
0xbb: {  	[tilespmem:v3+s28+$0x0 ss:$0x1] =	vst.idx.msk $0xffff, v4  }
0xbc: {  	s0 =	sadd.s32 $0xA0, s24  }
0xbd: {  	[tilespmem:s12], [sflag:$0x1] =	stream.indirect.gather [hbm4b:s18+s11], $0x80, s0, s11, $0xb8;
	[tilespmem:$0x11680] =	vst v63  }
0xbe: {  	s26 =	sadd.s32 $0x2820, s24;
	s28 =	simm.s32 $0x3  }
0xbf: {  	[tilespmem:s13], [sflag:$0x2] =	stream.indirect.gather [hbm4b:s19+s11], $0x80, s26, s11, $0xb8;
	[tilespmem:$0x11680] =	vst v63  }
0xc0: {  	_ =	swait.ge [sflag:s28], $0x2800  }
0xc1: {  	[sflag:s28] =	ssyncset.done $0x0  }
0xc2: {  	s1 =	simm.s32 $0x4;
	[sflag:s28] =	ssyncadd.s32 $0xFFFFD800  }
0xc3: {  	s30 =	smov.u32 s18;
	_ =	swait.ge [sflag:s1], $0x2800  }
0xc4: {  	s31 =	smov.u32 s19;
	s29 =	sadd.s32 $0x4F00, s23;
	[sflag:s1] =	ssyncset.done $0x0  }
0xc5: {  	s23 =	simm.s32 $0x0;
	s24 =	simm.s32 $0x0;
	v3 =	vmov s29;
	[sflag:s1] =	ssyncadd.s32 $0xFFFFD800  }
.LBB2_7:
0xc6: {  	s25 =	sshll.u32 s24, $0x4  }
0xc7: {  	v4 =	vmov s25  }
0xc8: {  	v4 =	vshll.u32 v4, $0x7  }
0xc9: {  	v4 =	vor.u32 v1, v4  }
0xca: {  	v9 =	vor.u32 v0, v4  }
0xcb: {  	v5 =	vor.u32 s23, v9  }
0xcc: {  	v11 =	vor.u32 v2, v4  }
0xcd: {  	v6 =	vor.u32 s23, v11  }
0xce: {  	s26 =	simm.s32 $0x10  }
0xcf: {  	v8 =	vor.u32 s26, v9  }
0xd0: {  	s29 =	simm.s32 $0xE;
	v23 =	vld.idx.msk [tilespmem:v5+s14+$0x0], $0xffff  }
0xd1: {  	v10 =	vadd.s32 s29, v9;
	v24 =	vld.idx.msk [tilespmem:v5+s15+$0x0], $0xffff  }
0xd2: {  	s20 =	simm.s32 $0x8;
	v26 =	vld.idx.msk [tilespmem:v6+s14+$0x0], $0xffff  }
0xd3: {  	v12 =	vadd.s32 s20, v9;
	v28 =	vld.idx.msk [tilespmem:v6+s15+$0x0], $0xffff  }
0xd4: {  	s3 =	simm.s32 $0xC;
	v7 =	vld.idx.msk [tilespmem:v8+s14+$0x0], $0xffff  }
0xd5: {  	v5 =	vadd.s32 s3, v9;
	v8 =	vld.idx.msk [tilespmem:v8+s15+$0x0], $0xffff  }
0xd6: {  	s1 =	simm.s32 $0xA;
	v13 =	vld.idx.msk [tilespmem:v10+s14+$0x0], $0xffff  }
0xd7: {  	v6 =	vadd.s32 s1, v9;
	v14 =	vld.idx.msk [tilespmem:v10+s15+$0x0], $0xffff  }
0xd8: {  	s10 =	simm.s32 $0x6;
	v25 =	vld.idx.msk [tilespmem:v12+s14+$0x0], $0xffff  }
0xd9: {  	v10 =	vadd.s32 s10, v9;
	v27 =	vld.idx.msk [tilespmem:v12+s15+$0x0], $0xffff  }
0xda: {  	s7 =	simm.s32 $0x4;
	v17 =	vld.idx.msk [tilespmem:v5+s14+$0x0], $0xffff  }
0xdb: {  	v18 =	vld.idx.msk [tilespmem:v5+s15+$0x0], $0xffff;
	v5 =	vadd.s32 s7, v9  }
0xdc: {  	s2 =	simm.s32 $0x2;
	s5 =	simm.s32 $0x1E;
	v21 =	vld.idx.msk [tilespmem:v6+s14+$0x0], $0xffff  }
0xdd: {  	v12 =	vadd.s32 s5, v0;
	v22 =	vld.idx.msk [tilespmem:v6+s15+$0x0], $0xffff;
	v6 =	vadd.s32 s2, v9  }
0xde: {  	s6 =	simm.s32 $0x1C;
	v12 =	vand.u32 $0x7F, v12;
	v29 =	vld.idx.msk [tilespmem:v10+s14+$0x0], $0xffff  }
0xdf: {  	v12 =	vor.u32 v4, v12;
	v30 =	vld.idx.msk [tilespmem:v10+s15+$0x0], $0xffff;
	v10 =	vadd.s32 s6, v0  }
0xe0: {  	s8 =	simm.s32 $0x1A;
	v10 =	vand.u32 $0x7F, v10;
	v32 =	vld.idx.msk [tilespmem:v5+s14+$0x0], $0xffff  }
0xe1: {  	v15 =	vor.u32 v4, v10;
	v33 =	vld.idx.msk [tilespmem:v5+s15+$0x0], $0xffff;
	v5 =	vadd.s32 s8, v0  }
0xe2: {  	s4 =	simm.s32 $0x18;
	v35 =	vld.idx.msk [tilespmem:v6+s14+$0x0], $0xffff;
	v5 =	vand.u32 $0x7F, v5  }
0xe3: {  	v36 =	vld.idx.msk [tilespmem:v6+s15+$0x0], $0xffff;
	v6 =	vadd.s32 s4, v0;
	v16 =	vor.u32 v4, v5  }
0xe4: {  	s9 =	simm.s32 $0x16;
	v6 =	vand.u32 $0x7F, v6;
	v5 =	vld.idx.msk [tilespmem:v12+s14+$0x0], $0xffff  }
0xe5: {  	v19 =	vadd.s32 s9, v0;
	v20 =	vor.u32 v4, v6;
	v6 =	vld.idx.msk [tilespmem:v12+s15+$0x0], $0xffff  }
0xe6: {  	s21 =	simm.s32 $0x14;
	v19 =	vand.u32 $0x7F, v19;
	v10 =	vld.idx.msk [tilespmem:v15+s14+$0x0], $0xffff  }
0xe7: {  	v34 =	vadd.s32 s21, v0;
	v38 =	vor.u32 v4, v19;
	v12 =	vld.idx.msk [tilespmem:v15+s15+$0x0], $0xffff  }
0xe8: {  	s0 =	simm.s32 $0x12;
	v34 =	vand.u32 $0x7F, v34;
	v15 =	vld.idx.msk [tilespmem:v16+s14+$0x0], $0xffff  }
0xe9: {  	v37 =	vadd.s32 s0, v0;
	v40 =	vor.u32 v4, v34;
	v16 =	vld.idx.msk [tilespmem:v16+s15+$0x0], $0xffff  }
0xea: {  	v31 =	vimm.f32 $0.0e+00;
	v63 =	vand.u32 $0x7F, v37;
	v19 =	vld.idx.msk [tilespmem:v20+s14+$0x0], $0xffff  }
0xeb: {  	s28 =	simm.s32 $0x20;
	v37 =	vadd.s32 s2, v2;
	v41 =	vor.u32 v4, v63;
	v34 =	vimm.f32 $0.0e+00;
	v20 =	vld.idx.msk [tilespmem:v20+s15+$0x0], $0xffff  }
.LBB2_8:
0xec: {  	p0 =	slt.u32 s28, $0x60;
	v39 =	vand.u32 $0x7F, v37;
	v37 =	vld.idx.msk [tilespmem:v38+s14+$0x0], $0xffff  }
0xed: {  	v42 =	vor.u32 v4, v39;
	v39 =	vadd.s32 s7, v2;
	v38 =	vld.idx.msk [tilespmem:v38+s15+$0x0], $0xffff  }
0xee: {  	v43 =	vand.u32 $0x7F, v39;
	v39 =	vld.idx.msk [tilespmem:v40+s14+$0x0], $0xffff  }
0xef: {  	v44 =	vadd.s32 s10, v2;
	v43 =	vor.u32 v4, v43;
	v40 =	vld.idx.msk [tilespmem:v40+s15+$0x0], $0xffff  }
0xf0: {  	v46 =	vadd.s32 s5, v2;
	v44 =	vand.u32 $0x7F, v44;
	v45 =	vld.idx.msk [tilespmem:v41+s14+$0x0], $0xffff  }
0xf1: {  	v47 =	vadd.s32 s20, v2;
	v48 =	vadd.s32 s6, v2;
	v44 =	vor.u32 v4, v44;
	v41 =	vld.idx.msk [tilespmem:v41+s15+$0x0], $0xffff  }
0xf2: {  	v50 =	vadd.s32 s4, v2;
	v51 =	vadd.s32 s8, v2;
	v47 =	vand.u32 $0x7F, v47;
	v49 =	vld.idx.msk [tilespmem:v42+s14+$0x0], $0xffff  }
0xf3: {  	v52 =	vadd.s32 s1, v2;
	v53 =	vadd.s32 s9, v2;
	v47 =	vor.u32 v4, v47;
	v42 =	vld.idx.msk [tilespmem:v42+s15+$0x0], $0xffff  }
0xf4: {  	v55 =	vadd.s32 s0, v2;
	v56 =	vadd.s32 s21, v2;
	v52 =	vand.u32 $0x7F, v52;
	v54 =	vld.idx.msk [tilespmem:v43+s14+$0x0], $0xffff  }
0xf5: {  	v57 =	vadd.s32 s3, v2;
	v58 =	vadd.s32 s29, v2;
	v52 =	vor.u32 v4, v52;
	v43 =	vld.idx.msk [tilespmem:v43+s15+$0x0], $0xffff  }
0xf6: {  	v60 =	vadd.s32 s26, v2;
	v57 =	vand.u32 $0x7F, v57;
	v58 =	vand.u32 $0x7F, v58;
	v59 =	vld.idx.msk [tilespmem:v44+s14+$0x0], $0xffff  }
0xf7: {  	v23 =	vmul.f32 v24, v23;
	v24 =	vmul.f32 v28, v26;
	v28 =	vor.u32 v4, v57;
	v26 =	vld.idx.msk [tilespmem:v44+s15+$0x0], $0xffff  }
0xf8: {  	v35 =	vmul.f32 v36, v35;
	v57 =	vand.u32 $0x7F, v60;
	v44 =	vor.u32 v4, v58;
	v36 =	vld.idx.msk [tilespmem:v47+s14+$0x0], $0xffff  }
0xf9: {  	v23 =	vadd.f32 v23, v31;
	v24 =	vadd.f32 v24, v34;
	v31 =	vmul.f32 v42, v49;
	v34 =	vld.idx.msk [tilespmem:v47+s15+$0x0], $0xffff  }
0xfa: {  	v32 =	vmul.f32 v33, v32;
	v42 =	vor.u32 v4, v57;
	v47 =	vand.u32 $0x7F, v55;
	v33 =	vld.idx.msk [tilespmem:v52+s14+$0x0], $0xffff  }
0xfb: {  	v23 =	vadd.f32 v35, v23;
	v24 =	vadd.f32 v31, v24;
	v31 =	vmul.f32 v43, v54;
	v35 =	vld.idx.msk [tilespmem:v52+s15+$0x0], $0xffff  }
0xfc: {  	v29 =	vmul.f32 v30, v29;
	v43 =	vor.u32 v4, v47;
	v47 =	vand.u32 $0x7F, v56;
	v30 =	vld.idx.msk [tilespmem:v28+s14+$0x0], $0xffff  }
0xfd: {  	v23 =	vadd.f32 v32, v23;
	v24 =	vadd.f32 v31, v24;
	v26 =	vmul.f32 v26, v59;
	v28 =	vld.idx.msk [tilespmem:v28+s15+$0x0], $0xffff  }
0xfe: {  	v25 =	vmul.f32 v27, v25;
	v32 =	vand.u32 $0x7F, v53;
	v31 =	vor.u32 v4, v47;
	v27 =	vld.idx.msk [tilespmem:v44+s14+$0x0], $0xffff  }
0xff: {  	v23 =	vadd.f32 v29, v23;
	v24 =	vadd.f32 v26, v24;
	v26 =	vmul.f32 v34, v36;
	v29 =	vld.idx.msk [tilespmem:v44+s15+$0x0], $0xffff  }
0x100: {  	v21 =	vmul.f32 v22, v21;
	v32 =	vor.u32 v4, v32;
	v34 =	vand.u32 $0x7F, v50;
	v22 =	vld.idx.msk [tilespmem:v42+s14+$0x0], $0xffff  }
0x101: {  	v23 =	vadd.f32 v25, v23;
	v24 =	vadd.f32 v26, v24;
	v25 =	vmul.f32 v35, v33;
	v26 =	vld.idx.msk [tilespmem:v42+s15+$0x0], $0xffff  }
0x102: {  	v17 =	vmul.f32 v18, v17;
	v33 =	vor.u32 v4, v34;
	v34 =	vand.u32 $0x7F, v51;
	v18 =	vld.idx.msk [tilespmem:v43+s14+$0x0], $0xffff  }
0x103: {  	v21 =	vadd.f32 v21, v23;
	v23 =	vadd.f32 v25, v24;
	v24 =	vmul.f32 v28, v30;
	v25 =	vld.idx.msk [tilespmem:v43+s15+$0x0], $0xffff  }
0x104: {  	v13 =	vmul.f32 v14, v13;
	v28 =	vor.u32 v4, v34;
	v30 =	vand.u32 $0x7F, v48;
	v14 =	vld.idx.msk [tilespmem:v31+s14+$0x0], $0xffff  }
0x105: {  	v17 =	vadd.f32 v17, v21;
	v21 =	vadd.f32 v24, v23;
	v23 =	vmul.f32 v29, v27;
	v24 =	vld.idx.msk [tilespmem:v31+s15+$0x0], $0xffff  }
0x106: {  	v7 =	vmul.f32 v8, v7;
	v27 =	vor.u32 v4, v30;
	v29 =	vand.u32 $0x7F, v46;
	v8 =	vld.idx.msk [tilespmem:v32+s14+$0x0], $0xffff  }
0x107: {  	v13 =	vadd.f32 v13, v17;
	v17 =	vadd.f32 v23, v21;
	v21 =	vmul.f32 v26, v22;
	v22 =	vld.idx.msk [tilespmem:v32+s15+$0x0], $0xffff  }
0x108: {  	v29 =	vor.u32 v4, v29;
	v23 =	vmul.f32 v41, v45;
	v26 =	vld.idx.msk [tilespmem:v33+s14+$0x0], $0xffff  }
0x109: {  	v7 =	vadd.f32 v7, v13;
	v13 =	vadd.f32 v21, v17;
	v17 =	vmul.f32 v25, v18;
	v18 =	vld.idx.msk [tilespmem:v33+s15+$0x0], $0xffff  }
0x10a: {  	v21 =	vor.u32 s28, v9;
	v25 =	vmul.f32 v40, v39;
	v30 =	vld.idx.msk [tilespmem:v28+s14+$0x0], $0xffff  }
0x10b: {  	v7 =	vadd.f32 v23, v7;
	v13 =	vadd.f32 v17, v13;
	v14 =	vmul.f32 v24, v14;
	v17 =	vld.idx.msk [tilespmem:v28+s15+$0x0], $0xffff  }
0x10c: {  	v23 =	vmul.f32 v38, v37;
	v28 =	vor.u32 s28, v11;
	v31 =	vld.idx.msk [tilespmem:v27+s14+$0x0], $0xffff  }
0x10d: {  	s26 =	sadd.s32 $0x10, s28;
	v7 =	vadd.f32 v25, v7;
	v13 =	vadd.f32 v14, v13;
	v8 =	vmul.f32 v22, v8;
	v14 =	vld.idx.msk [tilespmem:v27+s15+$0x0], $0xffff  }
0x10e: {  	v19 =	vmul.f32 v20, v19;
	v22 =	vor.u32 s26, v9;
	v20 =	vld.idx.msk [tilespmem:v29+s14+$0x0], $0xffff  }
0x10f: {  	s29 =	sadd.s32 $0xE, s28;
	v7 =	vadd.f32 v23, v7;
	v8 =	vadd.f32 v8, v13;
	v13 =	vmul.f32 v18, v26;
	v18 =	vld.idx.msk [tilespmem:v29+s15+$0x0], $0xffff  }
0x110: {  	v15 =	vmul.f32 v16, v15;
	v25 =	vadd.s32 s29, v9;
	v23 =	vld.idx.msk [tilespmem:v21+s14+$0x0], $0xffff  }
0x111: {  	s3 =	sadd.s32 $0xC, s28;
	v7 =	vadd.f32 v19, v7;
	v8 =	vadd.f32 v13, v8;
	v13 =	vmul.f32 v17, v30;
	v24 =	vld.idx.msk [tilespmem:v21+s15+$0x0], $0xffff  }
0x112: {  	v10 =	vmul.f32 v12, v10;
	v16 =	vadd.s32 s3, v9;
	v26 =	vld.idx.msk [tilespmem:v28+s14+$0x0], $0xffff  }
0x113: {  	s1 =	sadd.s32 $0xA, s28;
	v12 =	vadd.f32 v15, v7;
	v13 =	vadd.f32 v13, v8;
	v14 =	vmul.f32 v14, v31;
	v28 =	vld.idx.msk [tilespmem:v28+s15+$0x0], $0xffff  }
0x114: {  	v5 =	vmul.f32 v6, v5;
	v15 =	vadd.s32 s1, v9;
	v7 =	vld.idx.msk [tilespmem:v22+s14+$0x0], $0xffff  }
0x115: {  	v6 =	vadd.f32 v10, v12;
	v10 =	vadd.f32 v14, v13;
	v12 =	vmul.f32 v18, v20;
	v8 =	vld.idx.msk [tilespmem:v22+s15+$0x0], $0xffff  }
0x116: {  	s20 =	sadd.s32 $0x8, s28;
	v13 =	vld.idx.msk [tilespmem:v25+s14+$0x0], $0xffff  }
0x117: {  	v19 =	vadd.s32 s20, v9;
	v31 =	vadd.f32 v5, v6;
	v34 =	vadd.f32 v12, v10;
	v14 =	vld.idx.msk [tilespmem:v25+s15+$0x0], $0xffff  }
0x118: {  	s10 =	sadd.s32 $0x6, s28;
	v17 =	vld.idx.msk [tilespmem:v16+s14+$0x0], $0xffff  }
0x119: {  	v5 =	vadd.s32 s10, v9;
	v18 =	vld.idx.msk [tilespmem:v16+s15+$0x0], $0xffff  }
0x11a: {  	s7 =	sadd.s32 $0x4, s28;
	v21 =	vld.idx.msk [tilespmem:v15+s14+$0x0], $0xffff  }
0x11b: {  	v6 =	vadd.s32 s7, v9;
	v22 =	vld.idx.msk [tilespmem:v15+s15+$0x0], $0xffff  }
0x11c: {  	s2 =	sadd.s32 $0x2, s28;
	s5 =	sadd.s32 $0x1E, s28;
	v25 =	vld.idx.msk [tilespmem:v19+s14+$0x0], $0xffff  }
0x11d: {  	v10 =	vadd.s32 s2, v9;
	v12 =	vadd.s32 s5, v0;
	v27 =	vld.idx.msk [tilespmem:v19+s15+$0x0], $0xffff  }
0x11e: {  	s6 =	sadd.s32 $0x1C, s28;
	v12 =	vand.u32 $0x7F, v12;
	v29 =	vld.idx.msk [tilespmem:v5+s14+$0x0], $0xffff  }
0x11f: {  	v12 =	vor.u32 v4, v12;
	v30 =	vld.idx.msk [tilespmem:v5+s15+$0x0], $0xffff;
	v5 =	vadd.s32 s6, v0  }
0x120: {  	s8 =	sadd.s32 $0x1A, s28;
	v32 =	vld.idx.msk [tilespmem:v6+s14+$0x0], $0xffff;
	v5 =	vand.u32 $0x7F, v5  }
0x121: {  	v33 =	vld.idx.msk [tilespmem:v6+s15+$0x0], $0xffff;
	v6 =	vadd.s32 s8, v0;
	v15 =	vor.u32 v4, v5  }
0x122: {  	s4 =	sadd.s32 $0x18, s28;
	v35 =	vld.idx.msk [tilespmem:v10+s14+$0x0], $0xffff;
	v5 =	vand.u32 $0x7F, v6  }
0x123: {  	v6 =	vadd.s32 s4, v0;
	v36 =	vld.idx.msk [tilespmem:v10+s15+$0x0], $0xffff;
	v16 =	vor.u32 v4, v5  }
0x124: {  	s9 =	sadd.s32 $0x16, s28;
	v6 =	vand.u32 $0x7F, v6;
	v5 =	vld.idx.msk [tilespmem:v12+s14+$0x0], $0xffff  }
0x125: {  	v10 =	vadd.s32 s9, v0;
	v20 =	vor.u32 v4, v6;
	v6 =	vld.idx.msk [tilespmem:v12+s15+$0x0], $0xffff  }
0x126: {  	s21 =	sadd.s32 $0x14, s28;
	v12 =	vand.u32 $0x7F, v10;
	v10 =	vld.idx.msk [tilespmem:v15+s14+$0x0], $0xffff  }
.Ltmp2:
0x127: {  	v19 =	vadd.s32 s21, v0;
	v38 =	vor.u32 v4, v12;
	v12 =	vld.idx.msk [tilespmem:v15+s15+$0x0], $0xffff;
	(pc) =	sbr.rel @p0 .LBB2_8-.Ltmp2, $4  }
0x128: {  	s0 =	sadd.s32 $0x12, s28;
	v19 =	vand.u32 $0x7F, v19;
	v15 =	vld.idx.msk [tilespmem:v16+s14+$0x0], $0xffff  }
0x129: {  	v37 =	vadd.s32 s0, v0;
	v40 =	vor.u32 v4, v19;
	v16 =	vld.idx.msk [tilespmem:v16+s15+$0x0], $0xffff  }
0x12a: {  	v39 =	vand.u32 $0x7F, v37;
	v19 =	vld.idx.msk [tilespmem:v20+s14+$0x0], $0xffff  }
0x12b: {  	v37 =	vadd.s32 s2, v2;
	v41 =	vor.u32 v4, v39;
	s28 =	sadd.s32 $0x20, s28;
	v20 =	vld.idx.msk [tilespmem:v20+s15+$0x0], $0xffff  }
0x12c: {  	_ =	sdelay $0x3  }
0x12d: {  	v9 =	vand.u32 $0x7F, v37;
	v11 =	vld.idx.msk [tilespmem:v38+s14+$0x0], $0xffff  }
0x12e: {  	v60 =	vadd.s32 s7, v2;
	v38 =	vld.idx.msk [tilespmem:v38+s15+$0x0], $0xffff;
	v9 =	vor.u32 v4, v9  }
0x12f: {  	v39 =	vld.idx.msk [tilespmem:v40+s14+$0x0], $0xffff;
	v37 =	vand.u32 $0x7F, v60  }
0x130: {  	v42 =	vadd.s32 s10, v2;
	v40 =	vld.idx.msk [tilespmem:v40+s15+$0x0], $0xffff;
	v37 =	vor.u32 v4, v37  }
0x131: {  	v43 =	vld.idx.msk [tilespmem:v41+s14+$0x0], $0xffff;
	v44 =	vadd.s32 s5, v2;
	v45 =	vadd.s32 s20, v2;
	v42 =	vand.u32 $0x7F, v42  }
0x132: {  	v41 =	vld.idx.msk [tilespmem:v41+s15+$0x0], $0xffff;
	v46 =	vadd.s32 s6, v2;
	v48 =	vadd.s32 s4, v2;
	v42 =	vor.u32 v4, v42  }
0x133: {  	v49 =	vadd.s32 s8, v2;
	v50 =	vadd.s32 s1, v2;
	v45 =	vand.u32 $0x7F, v45;
	v47 =	vld.idx.msk [tilespmem:v9+s14+$0x0], $0xffff  }
0x134: {  	v51 =	vadd.s32 s9, v2;
	v53 =	vadd.s32 s0, v2;
	v45 =	vor.u32 v4, v45;
	v9 =	vld.idx.msk [tilespmem:v9+s15+$0x0], $0xffff  }
0x135: {  	v54 =	vadd.s32 s21, v2;
	v55 =	vadd.s32 s3, v2;
	v50 =	vand.u32 $0x7F, v50;
	v52 =	vld.idx.msk [tilespmem:v37+s14+$0x0], $0xffff  }
0x136: {  	v56 =	vadd.s32 s29, v2;
	v23 =	vmul.f32 v24, v23;
	v50 =	vor.u32 v4, v50;
	v37 =	vld.idx.msk [tilespmem:v37+s15+$0x0], $0xffff  }
0x137: {  	v61 =	vmul.f32 v28, v26;
	v62 =	vadd.s32 s26, v2;
	v55 =	vand.u32 $0x7F, v55;
	v57 =	vld.idx.msk [tilespmem:v42+s14+$0x0], $0xffff  }
0x138: {  	v35 =	vmul.f32 v36, v35;
	v23 =	vadd.f32 v23, v31;
	v63 =	vld.idx.msk [tilespmem:v42+s15+$0x0], $0xffff;
	v42 =	vor.u32 v4, v55  }
0x139: {  	v56 =	vand.u32 $0x7F, v56;
	v24 =	vadd.f32 v61, v34;
	v55 =	vld.idx.msk [tilespmem:v45+s14+$0x0], $0xffff;
	v9 =	vmul.f32 v9, v47  }
0x13a: {  	v32 =	vmul.f32 v33, v32;
	v31 =	vor.u32 v4, v56;
	v23 =	vadd.f32 v35, v23;
	v56 =	vld.idx.msk [tilespmem:v45+s15+$0x0], $0xffff  }
0x13b: {  	v26 =	vand.u32 $0x7F, v62;
	v58 =	vld.idx.msk [tilespmem:v50+s14+$0x0], $0xffff;
	v59 =	vmul.f32 v37, v52;
	v9 =	vadd.f32 v9, v24  }
0x13c: {  	v29 =	vmul.f32 v30, v29;
	v26 =	vor.u32 v4, v26;
	v23 =	vadd.f32 v32, v23;
	v61 =	vld.idx.msk [tilespmem:v50+s15+$0x0], $0xffff  }
0x13d: {  	v60 =	vand.u32 $0x7F, v53;
	v62 =	vld.idx.msk [tilespmem:v42+s14+$0x0], $0xffff;
	v63 =	vmul.f32 v63, v57;
	v9 =	vadd.f32 v59, v9  }
0x13e: {  	v25 =	vmul.f32 v27, v25;
	v45 =	vor.u32 v4, v60;
	v23 =	vadd.f32 v29, v23;
	v50 =	vld.idx.msk [tilespmem:v42+s15+$0x0], $0xffff  }
0x13f: {  	v47 =	vand.u32 $0x7F, v54;
	v52 =	vld.idx.msk [tilespmem:v31+s14+$0x0], $0xffff;
	v53 =	vmul.f32 v56, v55;
	v9 =	vadd.f32 v63, v9  }
0x140: {  	v21 =	vmul.f32 v22, v21;
	v23 =	vadd.f32 v25, v23;
	v54 =	vor.u32 v4, v47;
	v31 =	vld.idx.msk [tilespmem:v31+s15+$0x0], $0xffff  }
0x141: {  	v55 =	vand.u32 $0x7F, v51;
	v56 =	vld.idx.msk [tilespmem:v26+s14+$0x0], $0xffff;
	v57 =	vmul.f32 v61, v58;
	v9 =	vadd.f32 v53, v9  }
0x142: {  	v17 =	vmul.f32 v18, v17;
	v26 =	vld.idx.msk [tilespmem:v26+s15+$0x0], $0xffff;
	v21 =	vadd.f32 v21, v23;
	v58 =	vor.u32 v4, v55  }
0x143: {  	v60 =	vld.idx.msk [tilespmem:v45+s14+$0x0], $0xffff;
	v59 =	vand.u32 $0x7F, v48;
	v61 =	vmul.f32 v50, v62;
	v9 =	vadd.f32 v57, v9  }
0x144: {  	v13 =	vmul.f32 v14, v13;
	v28 =	vld.idx.msk [tilespmem:v45+s15+$0x0], $0xffff;
	v17 =	vadd.f32 v17, v21;
	v62 =	vor.u32 v4, v59  }
0x145: {  	v63 =	vand.u32 $0x7F, v49;
	v32 =	vld.idx.msk [tilespmem:v54+s14+$0x0], $0xffff;
	v33 =	vmul.f32 v31, v52;
	v9 =	vadd.f32 v61, v9  }
0x146: {  	v7 =	vmul.f32 v8, v7;
	v35 =	vand.u32 $0x7F, v46;
	v29 =	vld.idx.msk [tilespmem:v54+s15+$0x0], $0xffff;
	v34 =	vor.u32 v4, v63  }
0x147: {  	v13 =	vadd.f32 v13, v17;
	v37 =	vmul.f32 v26, v56;
	v36 =	vld.idx.msk [tilespmem:v58+s14+$0x0], $0xffff;
	v9 =	vadd.f32 v33, v9  }
0x148: {  	v46 =	vmul.f32 v41, v43;
	v42 =	vor.u32 v4, v35;
	v45 =	vand.u32 $0x7F, v44;
	v25 =	vld.idx.msk [tilespmem:v58+s15+$0x0], $0xffff  }
0x149: {  	v48 =	vmul.f32 v28, v60;
	v7 =	vadd.f32 v7, v13;
	v47 =	vld.idx.msk [tilespmem:v62+s14+$0x0], $0xffff;
	v9 =	vadd.f32 v37, v9  }
0x14a: {  	v50 =	vmul.f32 v40, v39;
	v4 =	vor.u32 v4, v45;
	v49 =	vld.idx.msk [tilespmem:v62+s15+$0x0], $0xffff  }
0x14b: {  	v7 =	vadd.f32 v46, v7;
	v52 =	vmul.f32 v29, v32;
	v51 =	vld.idx.msk [tilespmem:v34+s14+$0x0], $0xffff;
	v9 =	vadd.f32 v48, v9  }
0x14c: {  	v11 =	vmul.f32 v38, v11;
	v53 =	vld.idx.msk [tilespmem:v34+s15+$0x0], $0xffff  }
0x14d: {  	v54 =	vld.idx.msk [tilespmem:v42+s14+$0x0], $0xffff;
	v7 =	vadd.f32 v50, v7;
	v8 =	vmul.f32 v25, v36;
	v9 =	vadd.f32 v52, v9  }
0x14e: {  	v55 =	vld.idx.msk [tilespmem:v42+s15+$0x0], $0xffff;
	v56 =	vmul.f32 v20, v19  }
0x14f: {  	v57 =	vld.idx.msk [tilespmem:v4+s14+$0x0], $0xffff;
	v7 =	vadd.f32 v11, v7;
	v58 =	vmul.f32 v49, v47;
	v8 =	vadd.f32 v8, v9  }
0x150: {  	v59 =	vmul.f32 v16, v15;
	v4 =	vld.idx.msk [tilespmem:v4+s15+$0x0], $0xffff  }
0x151: {  	v7 =	vadd.f32 v56, v7;
	v60 =	vmul.f32 v53, v51;
	v8 =	vadd.f32 v58, v8  }
0x152: {  	v10 =	vmul.f32 v12, v10  }
0x153: {  	v61 =	vmul.f32 v55, v54;
	v7 =	vadd.f32 v59, v7;
	v8 =	vadd.f32 v60, v8  }
0x154: {  	v5 =	vmul.f32 v6, v5  }
0x155: {  	s24 =	sadd.s32 $0x1, s24;
	v4 =	vmul.f32 v4, v57;
	v62 =	vadd.f32 v10, v7;
	v63 =	vadd.f32 v61, v8  }
0x156: {  	p0 =	sne.s32 s24, $0x5  }
.Ltmp3:
0x157: {  	v5 =	vadd.f32 v5, v62;
	v4 =	vadd.f32 v4, v63;
	(pc) =	sbr.rel @p0 .LBB2_7-.Ltmp3, $3  }
0x158: {  	_ = 	snop  }
0x159: {  	v4 =	vadd.f32 v4, v5;
	_ =	sdelay $0x1  }
0x15a: {  	[tilespmem:v3+s25+$0x0 ss:$0x1] =	vst.idx.msk $0xffff, v4  }
0x15b: {  	s22 =	sadd.s32 $0x1, s22  }
0x15c: {  	p0 =	sne.s32 s22, $0x3E  }
.Ltmp4:
0x15d: {  	_ = 	snop;
	(pc) =	sbr.rel @p0 .LBB2_2-.Ltmp4, $1  }
0x15e: {  	_ =	sdelay $0x3  }
0x15f: {  	_ =	swait.ge [sflag:s16], $0x2800  }
0x160: {  	[sflag:s16] =	ssyncset.done $0x0  }
0x161: {  	[sflag:s16] =	ssyncadd.s32 $0xFFFFD800  }
0x162: {  	_ =	swait.ge [sflag:s17], $0x2800  }
0x163: {  	[sflag:s17] =	ssyncset.done $0x0  }
0x164: {  	s22 =	simm.s32 $0x0;
	s23 =	simm.s32 $0x0;
	[sflag:s17] =	ssyncadd.s32 $0xFFFFD800  }
.LBB2_12:
0x165: {  	s24 =	sshll.u32 s23, $0x4  }
0x166: {  	v3 =	vmov s24  }
0x167: {  	v3 =	vshll.u32 v3, $0x7  }
0x168: {  	v3 =	vor.u32 v1, v3  }
0x169: {  	v8 =	vor.u32 v0, v3  }
0x16a: {  	v4 =	vor.u32 s22, v8  }
0x16b: {  	v10 =	vor.u32 v2, v3  }
0x16c: {  	v5 =	vor.u32 s22, v10  }
0x16d: {  	s25 =	simm.s32 $0x10  }
0x16e: {  	v7 =	vor.u32 s25, v8  }
0x16f: {  	s28 =	simm.s32 $0xE;
	v22 =	vld.idx.msk [tilespmem:v4+s12+$0x0], $0xffff  }
0x170: {  	v9 =	vadd.s32 s28, v8;
	v23 =	vld.idx.msk [tilespmem:v4+s13+$0x0], $0xffff  }
0x171: {  	s20 =	simm.s32 $0x8;
	v25 =	vld.idx.msk [tilespmem:v5+s12+$0x0], $0xffff  }
0x172: {  	v11 =	vadd.s32 s20, v8;
	v27 =	vld.idx.msk [tilespmem:v5+s13+$0x0], $0xffff  }
0x173: {  	s3 =	simm.s32 $0xC;
	v6 =	vld.idx.msk [tilespmem:v7+s12+$0x0], $0xffff  }
0x174: {  	v4 =	vadd.s32 s3, v8;
	v7 =	vld.idx.msk [tilespmem:v7+s13+$0x0], $0xffff  }
0x175: {  	s1 =	simm.s32 $0xA;
	v12 =	vld.idx.msk [tilespmem:v9+s12+$0x0], $0xffff  }
0x176: {  	v5 =	vadd.s32 s1, v8;
	v13 =	vld.idx.msk [tilespmem:v9+s13+$0x0], $0xffff  }
0x177: {  	s10 =	simm.s32 $0x6;
	v24 =	vld.idx.msk [tilespmem:v11+s12+$0x0], $0xffff  }
0x178: {  	v9 =	vadd.s32 s10, v8;
	v26 =	vld.idx.msk [tilespmem:v11+s13+$0x0], $0xffff  }
0x179: {  	s7 =	simm.s32 $0x4;
	v16 =	vld.idx.msk [tilespmem:v4+s12+$0x0], $0xffff  }
0x17a: {  	v17 =	vld.idx.msk [tilespmem:v4+s13+$0x0], $0xffff;
	v4 =	vadd.s32 s7, v8  }
0x17b: {  	s2 =	simm.s32 $0x2;
	s5 =	simm.s32 $0x1E;
	v20 =	vld.idx.msk [tilespmem:v5+s12+$0x0], $0xffff  }
0x17c: {  	v11 =	vadd.s32 s5, v0;
	v21 =	vld.idx.msk [tilespmem:v5+s13+$0x0], $0xffff;
	v5 =	vadd.s32 s2, v8  }
0x17d: {  	s6 =	simm.s32 $0x1C;
	v11 =	vand.u32 $0x7F, v11;
	v28 =	vld.idx.msk [tilespmem:v9+s12+$0x0], $0xffff  }
0x17e: {  	v11 =	vor.u32 v3, v11;
	v29 =	vld.idx.msk [tilespmem:v9+s13+$0x0], $0xffff;
	v9 =	vadd.s32 s6, v0  }
0x17f: {  	s8 =	simm.s32 $0x1A;
	v9 =	vand.u32 $0x7F, v9;
	v31 =	vld.idx.msk [tilespmem:v4+s12+$0x0], $0xffff  }
0x180: {  	v14 =	vor.u32 v3, v9;
	v32 =	vld.idx.msk [tilespmem:v4+s13+$0x0], $0xffff;
	v4 =	vadd.s32 s8, v0  }
0x181: {  	s4 =	simm.s32 $0x18;
	v34 =	vld.idx.msk [tilespmem:v5+s12+$0x0], $0xffff;
	v4 =	vand.u32 $0x7F, v4  }
0x182: {  	v35 =	vld.idx.msk [tilespmem:v5+s13+$0x0], $0xffff;
	v5 =	vadd.s32 s4, v0;
	v15 =	vor.u32 v3, v4  }
0x183: {  	s9 =	simm.s32 $0x16;
	v5 =	vand.u32 $0x7F, v5;
	v4 =	vld.idx.msk [tilespmem:v11+s12+$0x0], $0xffff  }
0x184: {  	v18 =	vadd.s32 s9, v0;
	v19 =	vor.u32 v3, v5;
	v5 =	vld.idx.msk [tilespmem:v11+s13+$0x0], $0xffff  }
0x185: {  	s21 =	simm.s32 $0x14;
	v18 =	vand.u32 $0x7F, v18;
	v9 =	vld.idx.msk [tilespmem:v14+s12+$0x0], $0xffff  }
0x186: {  	v33 =	vadd.s32 s21, v0;
	v37 =	vor.u32 v3, v18;
	v11 =	vld.idx.msk [tilespmem:v14+s13+$0x0], $0xffff  }
0x187: {  	s0 =	simm.s32 $0x12;
	v33 =	vand.u32 $0x7F, v33;
	v14 =	vld.idx.msk [tilespmem:v15+s12+$0x0], $0xffff  }
0x188: {  	v36 =	vadd.s32 s0, v0;
	v39 =	vor.u32 v3, v33;
	v15 =	vld.idx.msk [tilespmem:v15+s13+$0x0], $0xffff  }
0x189: {  	v30 =	vimm.f32 $0.0e+00;
	v63 =	vand.u32 $0x7F, v36;
	v18 =	vld.idx.msk [tilespmem:v19+s12+$0x0], $0xffff  }
0x18a: {  	s26 =	simm.s32 $0x20;
	v36 =	vadd.s32 s2, v2;
	v40 =	vor.u32 v3, v63;
	v33 =	vimm.f32 $0.0e+00;
	v19 =	vld.idx.msk [tilespmem:v19+s13+$0x0], $0xffff  }
.LBB2_13:
0x18b: {  	p0 =	slt.u32 s26, $0x60;
	v38 =	vand.u32 $0x7F, v36;
	v36 =	vld.idx.msk [tilespmem:v37+s12+$0x0], $0xffff  }
0x18c: {  	v41 =	vor.u32 v3, v38;
	v38 =	vadd.s32 s7, v2;
	v37 =	vld.idx.msk [tilespmem:v37+s13+$0x0], $0xffff  }
0x18d: {  	v42 =	vand.u32 $0x7F, v38;
	v38 =	vld.idx.msk [tilespmem:v39+s12+$0x0], $0xffff  }
0x18e: {  	v43 =	vadd.s32 s10, v2;
	v42 =	vor.u32 v3, v42;
	v39 =	vld.idx.msk [tilespmem:v39+s13+$0x0], $0xffff  }
0x18f: {  	v45 =	vadd.s32 s5, v2;
	v43 =	vand.u32 $0x7F, v43;
	v44 =	vld.idx.msk [tilespmem:v40+s12+$0x0], $0xffff  }
0x190: {  	v46 =	vadd.s32 s20, v2;
	v47 =	vadd.s32 s6, v2;
	v43 =	vor.u32 v3, v43;
	v40 =	vld.idx.msk [tilespmem:v40+s13+$0x0], $0xffff  }
0x191: {  	v49 =	vadd.s32 s4, v2;
	v50 =	vadd.s32 s8, v2;
	v46 =	vand.u32 $0x7F, v46;
	v48 =	vld.idx.msk [tilespmem:v41+s12+$0x0], $0xffff  }
0x192: {  	v51 =	vadd.s32 s1, v2;
	v52 =	vadd.s32 s9, v2;
	v46 =	vor.u32 v3, v46;
	v41 =	vld.idx.msk [tilespmem:v41+s13+$0x0], $0xffff  }
0x193: {  	v54 =	vadd.s32 s0, v2;
	v55 =	vadd.s32 s21, v2;
	v51 =	vand.u32 $0x7F, v51;
	v53 =	vld.idx.msk [tilespmem:v42+s12+$0x0], $0xffff  }
0x194: {  	v56 =	vadd.s32 s3, v2;
	v57 =	vadd.s32 s28, v2;
	v51 =	vor.u32 v3, v51;
	v42 =	vld.idx.msk [tilespmem:v42+s13+$0x0], $0xffff  }
0x195: {  	v59 =	vadd.s32 s25, v2;
	v56 =	vand.u32 $0x7F, v56;
	v57 =	vand.u32 $0x7F, v57;
	v58 =	vld.idx.msk [tilespmem:v43+s12+$0x0], $0xffff  }
0x196: {  	v22 =	vmul.f32 v23, v22;
	v23 =	vmul.f32 v27, v25;
	v27 =	vor.u32 v3, v56;
	v25 =	vld.idx.msk [tilespmem:v43+s13+$0x0], $0xffff  }
0x197: {  	v34 =	vmul.f32 v35, v34;
	v56 =	vand.u32 $0x7F, v59;
	v43 =	vor.u32 v3, v57;
	v35 =	vld.idx.msk [tilespmem:v46+s12+$0x0], $0xffff  }
0x198: {  	v22 =	vadd.f32 v22, v30;
	v23 =	vadd.f32 v23, v33;
	v30 =	vmul.f32 v41, v48;
	v33 =	vld.idx.msk [tilespmem:v46+s13+$0x0], $0xffff  }
0x199: {  	v31 =	vmul.f32 v32, v31;
	v41 =	vor.u32 v3, v56;
	v46 =	vand.u32 $0x7F, v54;
	v32 =	vld.idx.msk [tilespmem:v51+s12+$0x0], $0xffff  }
0x19a: {  	v22 =	vadd.f32 v34, v22;
	v23 =	vadd.f32 v30, v23;
	v30 =	vmul.f32 v42, v53;
	v34 =	vld.idx.msk [tilespmem:v51+s13+$0x0], $0xffff  }
0x19b: {  	v28 =	vmul.f32 v29, v28;
	v42 =	vor.u32 v3, v46;
	v46 =	vand.u32 $0x7F, v55;
	v29 =	vld.idx.msk [tilespmem:v27+s12+$0x0], $0xffff  }
0x19c: {  	v22 =	vadd.f32 v31, v22;
	v23 =	vadd.f32 v30, v23;
	v25 =	vmul.f32 v25, v58;
	v27 =	vld.idx.msk [tilespmem:v27+s13+$0x0], $0xffff  }
0x19d: {  	v24 =	vmul.f32 v26, v24;
	v31 =	vand.u32 $0x7F, v52;
	v30 =	vor.u32 v3, v46;
	v26 =	vld.idx.msk [tilespmem:v43+s12+$0x0], $0xffff  }
0x19e: {  	v22 =	vadd.f32 v28, v22;
	v23 =	vadd.f32 v25, v23;
	v25 =	vmul.f32 v33, v35;
	v28 =	vld.idx.msk [tilespmem:v43+s13+$0x0], $0xffff  }
0x19f: {  	v20 =	vmul.f32 v21, v20;
	v31 =	vor.u32 v3, v31;
	v33 =	vand.u32 $0x7F, v49;
	v21 =	vld.idx.msk [tilespmem:v41+s12+$0x0], $0xffff  }
0x1a0: {  	v22 =	vadd.f32 v24, v22;
	v23 =	vadd.f32 v25, v23;
	v24 =	vmul.f32 v34, v32;
	v25 =	vld.idx.msk [tilespmem:v41+s13+$0x0], $0xffff  }
0x1a1: {  	v16 =	vmul.f32 v17, v16;
	v32 =	vor.u32 v3, v33;
	v33 =	vand.u32 $0x7F, v50;
	v17 =	vld.idx.msk [tilespmem:v42+s12+$0x0], $0xffff  }
0x1a2: {  	v20 =	vadd.f32 v20, v22;
	v22 =	vadd.f32 v24, v23;
	v23 =	vmul.f32 v27, v29;
	v24 =	vld.idx.msk [tilespmem:v42+s13+$0x0], $0xffff  }
0x1a3: {  	v12 =	vmul.f32 v13, v12;
	v27 =	vor.u32 v3, v33;
	v29 =	vand.u32 $0x7F, v47;
	v13 =	vld.idx.msk [tilespmem:v30+s12+$0x0], $0xffff  }
0x1a4: {  	v16 =	vadd.f32 v16, v20;
	v20 =	vadd.f32 v23, v22;
	v22 =	vmul.f32 v28, v26;
	v23 =	vld.idx.msk [tilespmem:v30+s13+$0x0], $0xffff  }
0x1a5: {  	v6 =	vmul.f32 v7, v6;
	v26 =	vor.u32 v3, v29;
	v28 =	vand.u32 $0x7F, v45;
	v7 =	vld.idx.msk [tilespmem:v31+s12+$0x0], $0xffff  }
0x1a6: {  	v12 =	vadd.f32 v12, v16;
	v16 =	vadd.f32 v22, v20;
	v20 =	vmul.f32 v25, v21;
	v21 =	vld.idx.msk [tilespmem:v31+s13+$0x0], $0xffff  }
0x1a7: {  	v28 =	vor.u32 v3, v28;
	v22 =	vmul.f32 v40, v44;
	v25 =	vld.idx.msk [tilespmem:v32+s12+$0x0], $0xffff  }
0x1a8: {  	v6 =	vadd.f32 v6, v12;
	v12 =	vadd.f32 v20, v16;
	v16 =	vmul.f32 v24, v17;
	v17 =	vld.idx.msk [tilespmem:v32+s13+$0x0], $0xffff  }
0x1a9: {  	v20 =	vor.u32 s26, v8;
	v24 =	vmul.f32 v39, v38;
	v29 =	vld.idx.msk [tilespmem:v27+s12+$0x0], $0xffff  }
0x1aa: {  	v6 =	vadd.f32 v22, v6;
	v12 =	vadd.f32 v16, v12;
	v13 =	vmul.f32 v23, v13;
	v16 =	vld.idx.msk [tilespmem:v27+s13+$0x0], $0xffff  }
0x1ab: {  	v22 =	vmul.f32 v37, v36;
	v27 =	vor.u32 s26, v10;
	v30 =	vld.idx.msk [tilespmem:v26+s12+$0x0], $0xffff  }
0x1ac: {  	s25 =	sadd.s32 $0x10, s26;
	v6 =	vadd.f32 v24, v6;
	v12 =	vadd.f32 v13, v12;
	v7 =	vmul.f32 v21, v7;
	v13 =	vld.idx.msk [tilespmem:v26+s13+$0x0], $0xffff  }
0x1ad: {  	v18 =	vmul.f32 v19, v18;
	v21 =	vor.u32 s25, v8;
	v19 =	vld.idx.msk [tilespmem:v28+s12+$0x0], $0xffff  }
0x1ae: {  	s28 =	sadd.s32 $0xE, s26;
	v6 =	vadd.f32 v22, v6;
	v7 =	vadd.f32 v7, v12;
	v12 =	vmul.f32 v17, v25;
	v17 =	vld.idx.msk [tilespmem:v28+s13+$0x0], $0xffff  }
0x1af: {  	v14 =	vmul.f32 v15, v14;
	v24 =	vadd.s32 s28, v8;
	v22 =	vld.idx.msk [tilespmem:v20+s12+$0x0], $0xffff  }
0x1b0: {  	s3 =	sadd.s32 $0xC, s26;
	v6 =	vadd.f32 v18, v6;
	v7 =	vadd.f32 v12, v7;
	v12 =	vmul.f32 v16, v29;
	v23 =	vld.idx.msk [tilespmem:v20+s13+$0x0], $0xffff  }
0x1b1: {  	v9 =	vmul.f32 v11, v9;
	v15 =	vadd.s32 s3, v8;
	v25 =	vld.idx.msk [tilespmem:v27+s12+$0x0], $0xffff  }
0x1b2: {  	s1 =	sadd.s32 $0xA, s26;
	v11 =	vadd.f32 v14, v6;
	v12 =	vadd.f32 v12, v7;
	v13 =	vmul.f32 v13, v30;
	v27 =	vld.idx.msk [tilespmem:v27+s13+$0x0], $0xffff  }
0x1b3: {  	v4 =	vmul.f32 v5, v4;
	v14 =	vadd.s32 s1, v8;
	v6 =	vld.idx.msk [tilespmem:v21+s12+$0x0], $0xffff  }
0x1b4: {  	v5 =	vadd.f32 v9, v11;
	v9 =	vadd.f32 v13, v12;
	v11 =	vmul.f32 v17, v19;
	v7 =	vld.idx.msk [tilespmem:v21+s13+$0x0], $0xffff  }
0x1b5: {  	s20 =	sadd.s32 $0x8, s26;
	v12 =	vld.idx.msk [tilespmem:v24+s12+$0x0], $0xffff  }
0x1b6: {  	v18 =	vadd.s32 s20, v8;
	v30 =	vadd.f32 v4, v5;
	v33 =	vadd.f32 v11, v9;
	v13 =	vld.idx.msk [tilespmem:v24+s13+$0x0], $0xffff  }
0x1b7: {  	s10 =	sadd.s32 $0x6, s26;
	v16 =	vld.idx.msk [tilespmem:v15+s12+$0x0], $0xffff  }
0x1b8: {  	v4 =	vadd.s32 s10, v8;
	v17 =	vld.idx.msk [tilespmem:v15+s13+$0x0], $0xffff  }
0x1b9: {  	s7 =	sadd.s32 $0x4, s26;
	v20 =	vld.idx.msk [tilespmem:v14+s12+$0x0], $0xffff  }
0x1ba: {  	v5 =	vadd.s32 s7, v8;
	v21 =	vld.idx.msk [tilespmem:v14+s13+$0x0], $0xffff  }
0x1bb: {  	s2 =	sadd.s32 $0x2, s26;
	s5 =	sadd.s32 $0x1E, s26;
	v24 =	vld.idx.msk [tilespmem:v18+s12+$0x0], $0xffff  }
0x1bc: {  	v9 =	vadd.s32 s2, v8;
	v11 =	vadd.s32 s5, v0;
	v26 =	vld.idx.msk [tilespmem:v18+s13+$0x0], $0xffff  }
0x1bd: {  	s6 =	sadd.s32 $0x1C, s26;
	v11 =	vand.u32 $0x7F, v11;
	v28 =	vld.idx.msk [tilespmem:v4+s12+$0x0], $0xffff  }
0x1be: {  	v11 =	vor.u32 v3, v11;
	v29 =	vld.idx.msk [tilespmem:v4+s13+$0x0], $0xffff;
	v4 =	vadd.s32 s6, v0  }
0x1bf: {  	s8 =	sadd.s32 $0x1A, s26;
	v31 =	vld.idx.msk [tilespmem:v5+s12+$0x0], $0xffff;
	v4 =	vand.u32 $0x7F, v4  }
0x1c0: {  	v32 =	vld.idx.msk [tilespmem:v5+s13+$0x0], $0xffff;
	v5 =	vadd.s32 s8, v0;
	v14 =	vor.u32 v3, v4  }
0x1c1: {  	s4 =	sadd.s32 $0x18, s26;
	v34 =	vld.idx.msk [tilespmem:v9+s12+$0x0], $0xffff;
	v4 =	vand.u32 $0x7F, v5  }
0x1c2: {  	v5 =	vadd.s32 s4, v0;
	v35 =	vld.idx.msk [tilespmem:v9+s13+$0x0], $0xffff;
	v15 =	vor.u32 v3, v4  }
0x1c3: {  	s9 =	sadd.s32 $0x16, s26;
	v5 =	vand.u32 $0x7F, v5;
	v4 =	vld.idx.msk [tilespmem:v11+s12+$0x0], $0xffff  }
0x1c4: {  	v9 =	vadd.s32 s9, v0;
	v19 =	vor.u32 v3, v5;
	v5 =	vld.idx.msk [tilespmem:v11+s13+$0x0], $0xffff  }
0x1c5: {  	s21 =	sadd.s32 $0x14, s26;
	v11 =	vand.u32 $0x7F, v9;
	v9 =	vld.idx.msk [tilespmem:v14+s12+$0x0], $0xffff  }
.Ltmp5:
0x1c6: {  	v18 =	vadd.s32 s21, v0;
	v37 =	vor.u32 v3, v11;
	v11 =	vld.idx.msk [tilespmem:v14+s13+$0x0], $0xffff;
	(pc) =	sbr.rel @p0 .LBB2_13-.Ltmp5, $4  }
0x1c7: {  	s0 =	sadd.s32 $0x12, s26;
	v18 =	vand.u32 $0x7F, v18;
	v14 =	vld.idx.msk [tilespmem:v15+s12+$0x0], $0xffff  }
0x1c8: {  	v36 =	vadd.s32 s0, v0;
	v39 =	vor.u32 v3, v18;
	v15 =	vld.idx.msk [tilespmem:v15+s13+$0x0], $0xffff  }
0x1c9: {  	v38 =	vand.u32 $0x7F, v36;
	v18 =	vld.idx.msk [tilespmem:v19+s12+$0x0], $0xffff  }
0x1ca: {  	v36 =	vadd.s32 s2, v2;
	v40 =	vor.u32 v3, v38;
	s26 =	sadd.s32 $0x20, s26;
	v19 =	vld.idx.msk [tilespmem:v19+s13+$0x0], $0xffff  }
0x1cb: {  	_ =	sdelay $0x2  }
0x1cc: {  	v8 =	vand.u32 $0x7F, v36  }
0x1cd: {  	v10 =	vld.idx.msk [tilespmem:v37+s12+$0x0], $0xffff;
	v61 =	vadd.s32 s7, v2;
	v8 =	vor.u32 v3, v8  }
0x1ce: {  	v37 =	vld.idx.msk [tilespmem:v37+s13+$0x0], $0xffff;
	v36 =	vand.u32 $0x7F, v61  }
0x1cf: {  	v38 =	vld.idx.msk [tilespmem:v39+s12+$0x0], $0xffff;
	v41 =	vadd.s32 s10, v2;
	v36 =	vor.u32 v3, v36  }
0x1d0: {  	v39 =	vld.idx.msk [tilespmem:v39+s13+$0x0], $0xffff;
	v41 =	vand.u32 $0x7F, v41  }
0x1d1: {  	v42 =	vld.idx.msk [tilespmem:v40+s12+$0x0], $0xffff;
	v44 =	vadd.s32 s20, v2;
	v41 =	vor.u32 v3, v41  }
0x1d2: {  	v43 =	vadd.s32 s5, v2;
	v45 =	vadd.s32 s6, v2;
	v44 =	vand.u32 $0x7F, v44;
	v46 =	vld.idx.msk [tilespmem:v8+s12+$0x0], $0xffff  }
0x1d3: {  	v47 =	vadd.s32 s4, v2;
	v49 =	vadd.s32 s1, v2;
	v44 =	vor.u32 v3, v44;
	v8 =	vld.idx.msk [tilespmem:v8+s13+$0x0], $0xffff  }
0x1d4: {  	v48 =	vadd.s32 s8, v2;
	v50 =	vadd.s32 s9, v2;
	v49 =	vand.u32 $0x7F, v49;
	v51 =	vld.idx.msk [tilespmem:v36+s12+$0x0], $0xffff  }
0x1d5: {  	v52 =	vadd.s32 s0, v2;
	v55 =	vadd.s32 s28, v2;
	v49 =	vor.u32 v3, v49;
	v36 =	vld.idx.msk [tilespmem:v36+s13+$0x0], $0xffff  }
0x1d6: {  	v54 =	vadd.s32 s3, v2;
	v22 =	vmul.f32 v23, v22;
	v55 =	vand.u32 $0x7F, v55;
	v56 =	vld.idx.msk [tilespmem:v41+s12+$0x0], $0xffff  }
0x1d7: {  	v62 =	vmul.f32 v27, v25;
	v54 =	vand.u32 $0x7F, v54;
	v57 =	vor.u32 v3, v55;
	v27 =	vld.idx.msk [tilespmem:v41+s13+$0x0], $0xffff  }
0x1d8: {  	v63 =	vadd.s32 s25, v2;
	v34 =	vmul.f32 v35, v34;
	v41 =	vor.u32 v3, v54;
	v54 =	vld.idx.msk [tilespmem:v44+s12+$0x0], $0xffff  }
0x1d9: {  	v22 =	vadd.f32 v22, v30;
	v23 =	vadd.f32 v62, v33;
	v58 =	vld.idx.msk [tilespmem:v44+s13+$0x0], $0xffff;
	v8 =	vmul.f32 v8, v46  }
0x1da: {  	v53 =	vadd.s32 s21, v2;
	v31 =	vmul.f32 v32, v31;
	v25 =	vand.u32 $0x7F, v63;
	v59 =	vld.idx.msk [tilespmem:v49+s12+$0x0], $0xffff  }
0x1db: {  	v22 =	vadd.f32 v34, v22;
	v62 =	vld.idx.msk [tilespmem:v49+s13+$0x0], $0xffff;
	v60 =	vmul.f32 v36, v51;
	v8 =	vadd.f32 v8, v23  }
0x1dc: {  	v28 =	vmul.f32 v29, v28;
	v61 =	vand.u32 $0x7F, v52;
	v25 =	vor.u32 v3, v25;
	v52 =	vld.idx.msk [tilespmem:v57+s12+$0x0], $0xffff  }
0x1dd: {  	v22 =	vadd.f32 v31, v22;
	v63 =	vld.idx.msk [tilespmem:v41+s12+$0x0], $0xffff;
	v44 =	vmul.f32 v27, v56;
	v8 =	vadd.f32 v60, v8  }
0x1de: {  	v24 =	vmul.f32 v26, v24;
	v49 =	vand.u32 $0x7F, v53;
	v46 =	vor.u32 v3, v61;
	v51 =	vld.idx.msk [tilespmem:v41+s13+$0x0], $0xffff  }
0x1df: {  	v30 =	vld.idx.msk [tilespmem:v57+s13+$0x0], $0xffff;
	v22 =	vadd.f32 v28, v22;
	v53 =	vmul.f32 v58, v54;
	v8 =	vadd.f32 v44, v8  }
0x1e0: {  	v40 =	vld.idx.msk [tilespmem:v40+s13+$0x0], $0xffff;
	v20 =	vmul.f32 v21, v20;
	v55 =	vand.u32 $0x7F, v50;
	v54 =	vor.u32 v3, v49  }
0x1e1: {  	v22 =	vadd.f32 v24, v22;
	v56 =	vld.idx.msk [tilespmem:v25+s12+$0x0], $0xffff;
	v57 =	vmul.f32 v62, v59;
	v8 =	vadd.f32 v53, v8  }
0x1e2: {  	v16 =	vmul.f32 v17, v16;
	v58 =	vor.u32 v3, v55;
	v59 =	vand.u32 $0x7F, v47;
	v25 =	vld.idx.msk [tilespmem:v25+s13+$0x0], $0xffff  }
0x1e3: {  	v20 =	vadd.f32 v20, v22;
	v60 =	vld.idx.msk [tilespmem:v46+s12+$0x0], $0xffff;
	v61 =	vmul.f32 v51, v63;
	v8 =	vadd.f32 v57, v8  }
0x1e4: {  	v12 =	vmul.f32 v13, v12;
	v33 =	vmul.f32 v30, v52;
	v62 =	vor.u32 v3, v59;
	v27 =	vld.idx.msk [tilespmem:v46+s13+$0x0], $0xffff  }
0x1e5: {  	v16 =	vadd.f32 v16, v20;
	v63 =	vand.u32 $0x7F, v48;
	v32 =	vld.idx.msk [tilespmem:v54+s12+$0x0], $0xffff;
	v8 =	vadd.f32 v61, v8  }
0x1e6: {  	v6 =	vmul.f32 v7, v6;
	v35 =	vand.u32 $0x7F, v45;
	v28 =	vld.idx.msk [tilespmem:v54+s13+$0x0], $0xffff;
	v34 =	vor.u32 v3, v63  }
0x1e7: {  	v12 =	vadd.f32 v12, v16;
	v36 =	vld.idx.msk [tilespmem:v58+s12+$0x0], $0xffff;
	v41 =	vmul.f32 v25, v56;
	v8 =	vadd.f32 v33, v8  }
0x1e8: {  	v45 =	vand.u32 $0x7F, v43;
	v46 =	vmul.f32 v40, v42;
	v44 =	vor.u32 v3, v35;
	v24 =	vld.idx.msk [tilespmem:v58+s13+$0x0], $0xffff  }
0x1e9: {  	v47 =	vld.idx.msk [tilespmem:v62+s12+$0x0], $0xffff;
	v6 =	vadd.f32 v6, v12;
	v48 =	vmul.f32 v27, v60;
	v8 =	vadd.f32 v41, v8  }
0x1ea: {  	v50 =	vmul.f32 v39, v38;
	v3 =	vor.u32 v3, v45;
	v49 =	vld.idx.msk [tilespmem:v62+s13+$0x0], $0xffff  }
0x1eb: {  	v6 =	vadd.f32 v46, v6;
	v52 =	vmul.f32 v28, v32;
	v51 =	vld.idx.msk [tilespmem:v34+s12+$0x0], $0xffff;
	v8 =	vadd.f32 v48, v8  }
0x1ec: {  	v10 =	vmul.f32 v37, v10;
	v53 =	vld.idx.msk [tilespmem:v34+s13+$0x0], $0xffff  }
0x1ed: {  	v54 =	vld.idx.msk [tilespmem:v44+s12+$0x0], $0xffff;
	v6 =	vadd.f32 v50, v6;
	v7 =	vmul.f32 v24, v36;
	v8 =	vadd.f32 v52, v8  }
0x1ee: {  	v56 =	vmul.f32 v19, v18;
	v55 =	vld.idx.msk [tilespmem:v44+s13+$0x0], $0xffff  }
0x1ef: {  	v57 =	vld.idx.msk [tilespmem:v3+s12+$0x0], $0xffff;
	v58 =	vmul.f32 v49, v47;
	v6 =	vadd.f32 v10, v6;
	v7 =	vadd.f32 v7, v8  }
0x1f0: {  	v59 =	vmul.f32 v15, v14;
	v3 =	vld.idx.msk [tilespmem:v3+s13+$0x0], $0xffff  }
0x1f1: {  	v6 =	vadd.f32 v56, v6;
	v60 =	vmul.f32 v53, v51;
	v7 =	vadd.f32 v58, v7  }
0x1f2: {  	v9 =	vmul.f32 v11, v9  }
0x1f3: {  	v61 =	vmul.f32 v55, v54;
	v6 =	vadd.f32 v59, v6;
	v7 =	vadd.f32 v60, v7  }
0x1f4: {  	v4 =	vmul.f32 v5, v4  }
0x1f5: {  	s23 =	sadd.s32 $0x1, s23;
	v3 =	vmul.f32 v3, v57;
	v62 =	vadd.f32 v9, v6;
	v63 =	vadd.f32 v61, v7  }
0x1f6: {  	p0 =	sne.s32 s23, $0x5  }
.Ltmp6:
0x1f7: {  	v4 =	vadd.f32 v4, v62;
	v3 =	vadd.f32 v3, v63;
	(pc) =	sbr.rel @p0 .LBB2_12-.Ltmp6, $3  }
0x1f8: {  	_ = 	snop  }
0x1f9: {  	v3 =	vadd.f32 v3, v4;
	_ =	sdelay $0x1  }
0x1fa: {  	[tilespmem:s24+$0x75C0] =	vst v3  }
0x1fb: {  	s2 =	simm.s32 $0x0;
	s0 =	rddreg [dreg:$0x8];
	s1 =	simm.s32 $0x4F00  }
0x1fc: {  	[hbm4b:s0+s2] =	stream.linear.scatter [tilespmem:s1], [sflag:$0x5], $0x2710, $0x38;
	[tilespmem:$0x11680] =	vst v63  }
0x1fd: {  	s1 =	simm.s32 $0x5  }
0x1fe: {  	_ =	swait.ge [sflag:s1], $0x2710  }
0x1ff: {  	s3 =	rddreg [dreg:$0xa]  }
0x200: {  	s29 =	rddreg [dreg:$0x9];
	s3 =	sadd.s32 $0x1, s3  }
0x201: {  	p0 =	sne.s32 s3, s29  }
.Ltmp7:
0x202: {  	_ = 	snop;
	(pc) =	sbr.rel @p0 .LBB2_1-.Ltmp7, $3  }
0x203: {  	_ =	sdelay $0x1  }
0x204: {  	[sflag:s1] =	ssyncset.done $0x0  }
0x205: {  	[sflag:s1] =	ssyncadd.s32 $0xFFFFD8F0  }
0x206: {  	_ =	sfence.sel $0x180000  }
0x207: {  	[bflag:$0x0] =	sbarrier.arrive $0xFFFF  }
0x208: {  	_ =	strace $0x90000047  }
0x209: {  	s0 =	stileid.u32;
	[bflag:$0x2] =	sbarrier.arrive $0xFFFF  }
0x20a: {  	p0 =	sne.s32 s0, $0x0;
	s0 =	rddreg [dreg:$0x5]  }
0x20b: {  	s0 =	sadd.s32 @!p0 $0x100000, s0  }
0x20c: {  	[sflag:s0] =	ssyncadd.tile.s32 @!p0 $0x1;
	_ =	shalt  }
.Lfunc_end2:
_tile_overlayer_lowered:
.L_overlay_start_2:
0x20d: {  	(tag) =	ssettag $0x2  }
0x20e: {  	s0 =	rddreg [dreg:$0x0];
	s2 =	stileid.u32  }
0x20f: {  	s1 =	rddreg [dreg:$0x1];
	p0 =	sne.s32 s2, $0x0  }
0x210: {  	s3 =	rddreg [dreg:$0x2];
	[bflag:$0x3] =	sbarrier.arrive $0xFFFF;
	s2 =	simm.s32 @!p0 $0x1C05  }
0x211: {  	[timem:s3], [sflag:s2] =	dma.local @!p0 [hbm:s0], s1  }
0x212: {  	s0 =	simm.s32 @!p0 $0x5  }
0x213: {  	_ =	swait.ge @!p0 [sflag:s0], s1  }
0x214: {  	s1 =	ssub.s32 @!p0 $0x0, s1;
	[sflag:s0] =	ssyncset.done @!p0 $0x0  }
0x215: {  	[sflag:s0] =	ssyncadd.s32 @!p0 s1  }
0x216: {  	[bflag:$0x3] =	sbarrier.arrive $0xFFFF  }
0x217: {  	_ =	shalt  }

</sc_bundles>
